<compile_context>
chip_gen: v7x
topology: tpu7x:2x2x1
jax: 0.10.2.dev20260603
libtpu: 0.0.44.dev20260713+nightly
codegen_flags: <defaults>
</compile_context>

<pallas_src>
import functools
import math

import jax
import jax.numpy as jnp
from jax import lax
from jax.experimental import pallas as pl
from jax.experimental.pallas import tpu as pltpu
from jax.experimental.pallas import tpu_sc as plsc

_N = 10000
_E = 320000
_D = 128
_H = 4
_DK = 32

_NC = 2
_NS = 16
_NW = _NC * _NS
_EW = _E // _NW
_CB = 80
_KC = _EW // _CB
_NP = 10240
_TN = _NP // _NS
_PW = _D + 16
_BE = 512
_GE = _E // _BE
_BN = 1000
_GN = _N // _BN

_F32 = jnp.float32


def _vmesh():
    return plsc.VectorSubcoreMesh(core_axis_name="c", subcore_axis_name="s",
                                  num_cores=_NC, num_subcores=_NS)


_NSTRIP = 2000


def _deg_body(dst_ref, out_ref, acc_ref):
    i = pl.program_id(0)

    @pl.when(i == 0)
    def _():
        acc_ref[...] = jnp.zeros_like(acc_ref)

    dst = dst_ref[0, 0, :]
    ones = jnp.ones((_BE, 16), jnp.bfloat16)
    for s in range(_N // _NSTRIP):
        row0 = s * _NSTRIP
        node_ids = row0 + lax.broadcasted_iota(jnp.int32, (_NSTRIP, _BE), 0)
        oh = (node_ids == dst[None, :]).astype(jnp.bfloat16)
        acc_ref[pl.ds(row0, _NSTRIP), :] += jnp.dot(
            oh, ones, preferred_element_type=_F32)

    @pl.when(i == _GE - 1)
    def _():
        out_ref[...] = acc_ref[...]


def _deg_call(dst3g):
    return pl.pallas_call(
        _deg_body,
        grid=(_GE,),
        in_specs=[pl.BlockSpec((1, 1, _BE), lambda i: (i, 0, 0))],
        out_specs=pl.BlockSpec((_N, 16), lambda i: (0, 0)),
        out_shape=jax.ShapeDtypeStruct((_N, 16), _F32),
        scratch_shapes=[pltpu.VMEM((_N, 16), _F32)],
    )(dst3g)


def _seg_body(dst_ref, pv_ref, pw_ref, out_ref, acc_ref):
    i = pl.program_id(0)

    @pl.when(i == 0)
    def _():
        acc_ref[...] = jnp.zeros_like(acc_ref)

    dst = dst_ref[0, 0, :]
    vals = jnp.concatenate([pv_ref[...], pw_ref[...]],
                           axis=1).astype(jnp.bfloat16)
    for s in range(_N // _NSTRIP):
        row0 = s * _NSTRIP
        node_ids = row0 + lax.broadcasted_iota(jnp.int32, (_NSTRIP, _BE), 0)
        oh = (node_ids == dst[None, :]).astype(jnp.bfloat16)
        acc_ref[pl.ds(row0, _NSTRIP), :] += jnp.dot(
            oh, vals, preferred_element_type=_F32)

    @pl.when(i == _GE - 1)
    def _():
        out_ref[...] = acc_ref[...]


def _seg_call(dst3g, pv, pw):
    return pl.pallas_call(
        _seg_body,
        grid=(_GE,),
        in_specs=[
            pl.BlockSpec((1, 1, _BE), lambda i: (i, 0, 0)),
            pl.BlockSpec((_BE, _D), lambda i: (i, 0)),
            pl.BlockSpec((_BE, 16), lambda i: (i, 0)),
        ],
        out_specs=pl.BlockSpec((_N, _D + 16), lambda i: (0, 0)),
        out_shape=jax.ShapeDtypeStruct((_N, _D + 16), _F32),
        scratch_shapes=[pltpu.VMEM((_N, _D + 16), _F32)],
    )(dst3g, pv, pw)


def _make_gather():
    @functools.partial(
        pl.kernel,
        out_type=(
            jax.ShapeDtypeStruct((_E, _D), _F32),
            jax.ShapeDtypeStruct((_E, _D), _F32),
            jax.ShapeDtypeStruct((_E, _D), _F32),
        ),
        mesh=_vmesh(),
        scratch_types=[
            pltpu.VMEM((_CB,), jnp.int32),
            pltpu.VMEM((_CB,), jnp.int32),
            pltpu.VMEM((_CB, _D), _F32),
            pltpu.VMEM((_CB, _D), _F32),
            pltpu.VMEM((_CB, _D), _F32),
            pltpu.SemaphoreType.DMA,
        ],
    )
    def gather_kernel(x_hbm, qs_hbm, src_hbm, dst_hbm,
                      esrc_hbm, edst_hbm, eq_hbm,
                      idxs_c, idxd_c, xs_v, xd_v, qd_v, sem):
        cid = lax.axis_index("c")
        sid = lax.axis_index("s")
        wid = cid * _NS + sid
        base0 = wid * _EW

        def step(j, c):
            base = base0 + j * _CB
            pltpu.sync_copy(src_hbm.at[wid, j], idxs_c)
            pltpu.sync_copy(dst_hbm.at[wid, j], idxd_c)
            c1 = pltpu.async_copy(x_hbm.at[idxs_c], xs_v, sem)
            c2 = pltpu.async_copy(x_hbm.at[idxd_c], xd_v, sem)
            c3 = pltpu.async_copy(qs_hbm.at[idxd_c], qd_v, sem)
            c1.wait()
            c2.wait()
            c3.wait()
            pltpu.sync_copy(xs_v, esrc_hbm.at[pl.ds(base, _CB)])
            pltpu.sync_copy(xd_v, edst_hbm.at[pl.ds(base, _CB)])
            pltpu.sync_copy(qd_v, eq_hbm.at[pl.ds(base, _CB)])
            return c
        lax.fori_loop(0, _KC, step, 0)

    return gather_kernel


def _qs_body(x_ref, dg_ref, gq_ref, bq_ref, wq_ref, out_ref):
    x = x_ref[...]
    mq = jnp.mean(x, 1, keepdims=True)
    vq = jnp.mean((x - mq) ** 2, 1, keepdims=True)
    lq = (x - mq) * lax.rsqrt(vq + 1e-5) * gq_ref[...] + bq_ref[...]
    q = jnp.dot(lq, wq_ref[...], preferred_element_type=_F32)
    deg = dg_ref[:, 0:1]
    scale = jnp.log(deg + 1.0) * (1.0 / (math.log(32.0) * math.sqrt(_DK)))
    out_ref[...] = q * scale


def _qs_call(x, dtab, gq, bq, wq):
    row = lambda i: (i, 0)
    full = lambda a: pl.BlockSpec(a.shape, lambda i: tuple(0 for _ in a.shape))
    return pl.pallas_call(
        _qs_body,
        grid=(_GN,),
        in_specs=[
            pl.BlockSpec((_BN, _D), row),
            pl.BlockSpec((_BN, 16), row),
            full(gq), full(bq), full(wq),
        ],
        out_specs=pl.BlockSpec((_BN, _D), row),
        out_shape=jax.ShapeDtypeStruct((_N, _D), _F32),
    )(x, dtab, gq, bq, wq)


def _edge_body(es_ref, ef_ref, ed_ref, eq_ref,
               ge_ref, be_ref, w1_ref, b1_ref,
               w2_ref, b2_ref, gkv_ref, bkv_ref, wk_ref, wv_ref,
               pv_ref, pw_ref):
    es = es_ref[...]
    ef = ef_ref[...]
    ed = ed_ref[...]
    inv3 = 1.0 / (3 * _D)
    m = (jnp.sum(es, 1, keepdims=True) + jnp.sum(ef, 1, keepdims=True)
         + jnp.sum(ed, 1, keepdims=True)) * inv3
    var = (jnp.sum((es - m) ** 2, 1, keepdims=True)
           + jnp.sum((ef - m) ** 2, 1, keepdims=True)
           + jnp.sum((ed - m) ** 2, 1, keepdims=True)) * inv3
    inv = lax.rsqrt(var + 1e-5)
    ge_ = ge_ref[...]
    be_ = be_ref[...]
    hs = (es - m) * inv * ge_[:, :_D] + be_[:, :_D]
    hf = (ef - m) * inv * ge_[:, _D:2 * _D] + be_[:, _D:2 * _D]
    hd = (ed - m) * inv * ge_[:, 2 * _D:] + be_[:, 2 * _D:]
    h = jnp.concatenate([hs, hf, hd], axis=1)
    pre = jnp.dot(h, w1_ref[...], preferred_element_type=_F32) + b1_ref[...]
    eh = jnp.dot(jnp.maximum(pre, 0.0), w2_ref[...],
                 preferred_element_type=_F32) + b2_ref[...]
    mh = jnp.mean(eh, 1, keepdims=True)
    vh = jnp.mean((eh - mh) ** 2, 1, keepdims=True)
    lh = (eh - mh) * lax.rsqrt(vh + 1e-5) * gkv_ref[...] + bkv_ref[...]
    k = jnp.dot(lh, wk_ref[...], preferred_element_type=_F32)
    v = jnp.dot(lh, wv_ref[...], preferred_element_type=_F32)
    g = (lax.broadcasted_iota(jnp.int32, (_D, _H), 0) // _DK
         == lax.broadcasted_iota(jnp.int32, (_D, _H), 1)).astype(_F32)
    logits = jnp.dot(eq_ref[...] * k, g, preferred_element_type=_F32)
    p = jnp.exp(logits)
    gt = (lax.broadcasted_iota(jnp.int32, (_H, _D), 1) // _DK
          == lax.broadcasted_iota(jnp.int32, (_H, _D), 0)).astype(_F32)
    pv_ref[...] = jnp.dot(p, gt, preferred_element_type=_F32) * v
    pad = jnp.zeros((_BE, 16 - _H), _F32)
    pw_ref[...] = jnp.concatenate([p, pad], axis=1)


def _edge_call(esrc, edge_fea, edst, eq, ge, be, w1e, b1e,
               w2e, b2e, gkv, bkv, wk, wv):
    row = lambda i: (i, 0)
    full = lambda a: pl.BlockSpec(a.shape, lambda i: tuple(0 for _ in a.shape))
    return pl.pallas_call(
        _edge_body,
        grid=(_GE,),
        in_specs=[
            pl.BlockSpec((_BE, _D), row),
            pl.BlockSpec((_BE, _D), row),
            pl.BlockSpec((_BE, _D), row),
            pl.BlockSpec((_BE, _D), row),
            full(ge), full(be), full(w1e),
            full(b1e), full(w2e), full(b2e), full(gkv), full(bkv),
            full(wk), full(wv),
        ],
        out_specs=(pl.BlockSpec((_BE, _D), row), pl.BlockSpec((_BE, 16), row)),
        out_shape=(jax.ShapeDtypeStruct((_E, _D), _F32),
                   jax.ShapeDtypeStruct((_E, 16), _F32)),
    )(esrc, edge_fea, edst, eq, ge, be, w1e, b1e, w2e, b2e,
      gkv, bkv, wk, wv)


def _node_body(x_ref, acc_ref,
               wa_ref, ba_ref, ws_ref, bs_ref,
               wo1_ref, wo2_ref, bo_ref, gf_ref, bf_ref, w1_ref, b1_ref,
               w2_ref, b2_ref, w3_ref, b3_ref, out_ref):
    acc = acc_ref[...]
    agg = acc[:, 0:_D]
    den = acc[:, _D:_D + _H]
    rec = 1.0 / (den + 1e-9)
    gt = (lax.broadcasted_iota(jnp.int32, (_H, _D), 1) // _DK
          == lax.broadcasted_iota(jnp.int32, (_H, _D), 0)).astype(_F32)
    attn_in = agg * jnp.dot(rec, gt, preferred_element_type=_F32)
    attn_out = jnp.maximum(
        jnp.dot(attn_in, wa_ref[...], preferred_element_type=_F32)
        + ba_ref[...], 0.0)
    x = x_ref[...]
    self_out = jnp.maximum(
        jnp.dot(x, ws_ref[...], preferred_element_type=_F32) + bs_ref[...],
        0.0)
    o = (jnp.dot(attn_out, wo1_ref[...], preferred_element_type=_F32)
         + jnp.dot(self_out, wo2_ref[...], preferred_element_type=_F32)
         + bo_ref[...])
    mo = jnp.mean(o, 1, keepdims=True)
    vo = jnp.mean((o - mo) ** 2, 1, keepdims=True)
    ln = (o - mo) * lax.rsqrt(vo + 1e-5) * gf_ref[...] + bf_ref[...]
    a1 = jnp.dot(ln, w1_ref[...], preferred_element_type=_F32) + b1_ref[...]
    a3 = jnp.dot(ln, w3_ref[...], preferred_element_type=_F32) + b3_ref[...]
    gated = a1 * jax.nn.sigmoid(a1) * a3
    ffn = jnp.dot(gated, w2_ref[...], preferred_element_type=_F32) + b2_ref[...]
    out_ref[...] = ffn + o


def _node_call(x, acc, wa, ba, ws, bs, wo1, wo2, bo, gf, bf,
               w1, b1, w2, b2, w3, b3):
    row = lambda i: (i, 0)
    full = lambda a: pl.BlockSpec(a.shape, lambda i: tuple(0 for _ in a.shape))
    return pl.pallas_call(
        _node_body,
        grid=(_GN,),
        in_specs=[
            pl.BlockSpec((_BN, _D), row),
            pl.BlockSpec((_BN, _D + 16), row),
            full(wa), full(ba), full(ws), full(bs), full(wo1), full(wo2),
            full(bo), full(gf), full(bf), full(w1), full(b1), full(w2),
            full(b2), full(w3), full(b3),
        ],
        out_specs=pl.BlockSpec((_BN, _D), row),
        out_shape=jax.ShapeDtypeStruct((_N, _D), _F32),
    )(x, acc, wa, ba, ws, bs, wo1, wo2, bo, gf, bf, w1, b1, w2, b2, w3, b3)


def kernel(x, edge_fea, edge_index, gq, bq, Wq, ge, be, W1e, b1e, W2e, b2e,
           gkv, bkv, Wkv, Wa, ba, Ws, bs, Wo, bo, gf, bf, w1, b1, w2, b2,
           w3, b3):
    src3 = edge_index[0].reshape(_NW, _KC, _CB)
    dst3 = edge_index[1].reshape(_NW, _KC, _CB)
    dst3g = edge_index[1].reshape(_GE, 1, _BE)
    r = lambda a: a.reshape(1, -1)

    dtab = _deg_call(dst3g)
    qs = _qs_call(x, dtab, r(gq), r(bq), Wq)
    esrc, edst, eq = _make_gather()(x, qs, src3, dst3)

    wkv4 = Wkv.reshape(_D, _H, 2, _DK)
    wk = wkv4[:, :, 0, :].reshape(_D, _H * _DK)
    wv = wkv4[:, :, 1, :].reshape(_D, _H * _DK)
    pv, pw = _edge_call(esrc, edge_fea, edst, eq, r(ge),
                        r(be), W1e, r(b1e), W2e, r(b2e), r(gkv), r(bkv),
                        wk, wv)

    acc = _seg_call(dst3g, pv, pw)

    return _node_call(x, acc, Wa, r(ba), Ws, r(bs), Wo[:_D],
                      Wo[_D:], r(bo), r(gf), r(bf), w1, r(b1), w2, r(b2),
                      w3, r(b3))

# --- scband reference (transcript-rebuilt; emitter-appended) ---
"""Pipeline reference for scband-hdgt-encoder-31430570672764 (READ-ONLY COPY).

The authoritative reference and input builder live on the scoring server;
editing this copy changes nothing except your own understanding.
"""

import jax, jax.numpy as jnp
import numpy as np

N = 10000
E = 320000
D = 128
H = 4
DK = 32


def layer_norm(x, g, b):
    m = jnp.mean(x, axis=-1, keepdims=True)
    v = jnp.var(x, axis=-1, keepdims=True)
    return (x - m) / jnp.sqrt(v + 1e-5) * g + b


def setup_inputs(seed: int = 0) -> dict:
    key = jax.random.key(seed)
    ks = jax.random.split(key, 16)
    inp = {}
    inp['x'] = jax.random.normal(ks[0], (N, D), dtype=jnp.float32)
    inp['edge_fea'] = jax.random.normal(ks[1], (E, D), dtype=jnp.float32)
    inp['edge_index'] = jax.random.randint(ks[2], (2, E), 0, N, dtype=jnp.int32)
    inp['gq'] = jnp.ones((D,), jnp.float32); inp['bq'] = jnp.zeros((D,), jnp.float32)
    inp['Wq'] = 0.02 * jax.random.normal(ks[3], (D, H * DK), dtype=jnp.float32)
    inp['ge'] = jnp.ones((3 * D,), jnp.float32); inp['be'] = jnp.zeros((3 * D,), jnp.float32)
    inp['W1e'] = 0.02 * jax.random.normal(ks[4], (3 * D, 4 * D), dtype=jnp.float32)
    inp['b1e'] = jnp.zeros((4 * D,), jnp.float32)
    inp['W2e'] = 0.02 * jax.random.normal(ks[5], (4 * D, D), dtype=jnp.float32)
    inp['b2e'] = jnp.zeros((D,), jnp.float32)
    inp['gkv'] = jnp.ones((D,), jnp.float32); inp['bkv'] = jnp.zeros((D,), jnp.float32)
    inp['Wkv'] = 0.02 * jax.random.normal(ks[6], (D, H * DK * 2), dtype=jnp.float32)
    inp['Wa'] = 0.02 * jax.random.normal(ks[7], (H * DK, D), dtype=jnp.float32)
    inp['ba'] = jnp.zeros((D,), jnp.float32)
    inp['Ws'] = 0.02 * jax.random.normal(ks[8], (D, D), dtype=jnp.float32)
    inp['bs'] = jnp.zeros((D,), jnp.float32)
    inp['Wo'] = 0.02 * jax.random.normal(ks[9], (2 * D, D), dtype=jnp.float32)
    inp['bo'] = jnp.zeros((D,), jnp.float32)
    inp['gf'] = jnp.ones((D,), jnp.float32); inp['bf'] = jnp.zeros((D,), jnp.float32)
    inp['w1'] = 0.02 * jax.random.normal(ks[10], (D, 4 * D), dtype=jnp.float32)
    inp['b1'] = jnp.zeros((4 * D,), jnp.float32)
    inp['w2'] = 0.02 * jax.random.normal(ks[11], (4 * D, D), dtype=jnp.float32)
    inp['b2'] = jnp.zeros((D,), jnp.float32)
    inp['w3'] = 0.02 * jax.random.normal(ks[12], (D, 4 * D), dtype=jnp.float32)
    inp['b3'] = jnp.zeros((4 * D,), jnp.float32)
    return inp


def _forward(x, edge_fea, edge_index, gq, bq, Wq, ge, be, W1e, b1e, W2e, b2e,
             gkv, bkv, Wkv, Wa, ba, Ws, bs, Wo, bo, gf, bf, w1, b1, w2, b2, w3, b3):
    src = edge_index[0]
    dst = edge_index[1]
    # per-dst-node multi-head query (wqs: LayerNorm + Linear, no bias)
    q = (layer_norm(x, gq, bq) @ Wq).reshape(N, H, DK)
    # edge hidden: edge_MLP['other'] over concat(src hidden, edge hidden, dst hidden), prenorm MLP
    e_in = jnp.concatenate([x[src], edge_fea, x[dst]], axis=-1)
    h = layer_norm(e_in, ge, be)
    e_h = jax.nn.relu(h @ W1e + b1e) @ W2e + b2e
    # wkvs: LayerNorm + Linear producing k and v per edge
    kv = (layer_norm(e_h, gkv, bkv) @ Wkv).reshape(E, H, 2 * DK)
    k = kv[..., :DK]
    v = kv[..., DK:]
    # scaled dot product attention per edge, segment-softmax over dst
    logits = jnp.sum(q[dst] * k, axis=-1) / jnp.sqrt(float(DK))
    deg = jax.ops.segment_sum(jnp.ones((E,), jnp.float32), dst, num_segments=N)
    scale = jnp.log(deg + 1.0) / jnp.log(32.0)  # math.log(n+1, 32) factor
    logits = logits * scale[dst][:, None]
    m = jax.ops.segment_max(logits, dst, num_segments=N)
    m = jnp.where(jnp.isfinite(m), m, 0.0)
    p = jnp.exp(logits - m[dst])
    denom = jax.ops.segment_sum(p, dst, num_segments=N)
    attn = p / (denom[dst] + 1e-9)
    agg = jax.ops.segment_sum(attn[..., None] * v, dst, num_segments=N)
    # attn_fcs: Linear + ReLU
    attn_out = jax.nn.relu(agg.reshape(N, H * DK) @ Wa + ba)
    # self_fc: Linear + ReLU on node hidden
    self_out = jax.nn.relu(x @ Ws + bs)
    # out_fc over concatenated per-relation outputs + self
    o = jnp.concatenate([attn_out, self_out], axis=-1) @ Wo + bo
    # PositionwiseFeedForward: SwiGLU-style gated FFN with residual
    ln = layer_norm(o, gf, bf)
    ffn = (jax.nn.silu(ln @ w1 + b1) * (ln @ w3 + b3)) @ w2 + b2
    return ffn + o


def reference(x, edge_fea, edge_index, gq, bq, Wq, ge, be, W1e, b1e, W2e, b2e,
              gkv, bkv, Wkv, Wa, ba, Ws, bs, Wo, bo, gf, bf, w1, b1, w2, b2, w3, b3):
    return _forward(x, edge_fea, edge_index, gq, bq, Wq, ge, be, W1e, b1e, W2e,
                    b2e, gkv, bkv, Wkv, Wa, ba, Ws, bs, Wo, bo, gf, bf,
                    w1, b1, w2, b2, w3, b3)

if __name__ == "__main__":
    import jax
    _d = setup_inputs()
    print(jax.jit(kernel)(*tuple(_d.values())))

</pallas_src>

<mosaic_0001>
#map = affine_map<(d0, d1) -> (0, 0)>
#map1 = affine_map<(d0, d1) -> (0, 0, 0)>
module attributes {stable_mosaic.version = 14 : i64} {
  func.func @gather_kernel(%arg0: i32, %arg1: i32, %arg2: memref<10000x128xf32, #tpu.memory_space<hbm>>, %arg3: memref<10000x128xf32, #tpu.memory_space<hbm>>, %arg4: memref<32x125x80xi32, #tpu.memory_space<hbm>>, %arg5: memref<32x125x80xi32, #tpu.memory_space<hbm>>, %arg6: memref<320000x128xf32, #tpu.memory_space<hbm>>, %arg7: memref<320000x128xf32, #tpu.memory_space<hbm>>, %arg8: memref<320000x128xf32, #tpu.memory_space<hbm>>, %arg9: memref<80xi32, #tpu.memory_space<vmem>>, %arg10: memref<80xi32, #tpu.memory_space<vmem>>, %arg11: memref<80x128xf32, #tpu.memory_space<vmem>>, %arg12: memref<80x128xf32, #tpu.memory_space<vmem>>, %arg13: memref<80x128xf32, #tpu.memory_space<vmem>>, %arg14: memref<!tpu.dma_semaphore, #tpu.memory_space<semaphore_mem>>) attributes {dimension_semantics = [#tpu.dimension_semantics<core_parallel>, #tpu.dimension_semantics<subcore_parallel>], iteration_bounds = array<i64: 2, 16>, scalar_prefetch = 0 : i64, scratch_operands = 6 : i64, tpu.core_type = #tpu.core_type<sc_vector_subcore>, window_params = [{transform_indices = #map}, {transform_indices = #map}, {transform_indices = #map1}, {transform_indices = #map1}, {transform_indices = #map}, {transform_indices = #map}, {transform_indices = #map}]} {
    %mul3A = arith.constant 16 : i32
    %mul3A_0 = arith.muli %arg0, %mul3A : i32
    %add3A = arith.addi %mul3A_0, %arg1 : i32
    %mul3A_1 = arith.constant 10000 : i32
    %mul3A_2 = arith.muli %add3A, %mul3A_1 : i32
    %scan3A = arith.constant 0 : i32
    %scan3A_3 = arith.constant 0 : i32
    %scan3A_4 = arith.constant 125 : i32
    %scan3A_5 = arith.addi %scan3A_3, %scan3A_4 : i32
    %scan3A_6 = arith.constant 1 : i32
    scf.for %scan3A_8 = %scan3A_3 to %scan3A_5 step %scan3A_6  : i32 {
      %mul3A_9 = arith.constant 80 : i32
      %mul3A_10 = arith.muli %scan3A_8, %mul3A_9 : i32
      %add3A_11 = arith.addi %mul3A_2, %mul3A_10 : i32
      "tpu.region"() ({
        %run_scoped3A = tpu.sem_alloc : memref<!tpu.dma_semaphore, #tpu.memory_space<semaphore_mem>>
        %dma_start3A_28 = arith.constant 0 : i32
        %dma_start3A_29 = tpu.memref_slice %arg4[%add3A, %scan3A_8, %dma_start3A_28] : memref<32x125x80xi32, #tpu.memory_space<hbm>> -> memref<1x1x80xi32, #tpu.memory_space<hbm>>
        %dma_start3A_30 = tpu.memref_squeeze %dma_start3A_29 : memref<1x1x80xi32, #tpu.memory_space<hbm>> -> memref<80xi32, #tpu.memory_space<hbm>>
        %dma_start3A_31 = arith.constant 0 : i32
        %dma_start3A_32 = tpu.memref_slice %arg4[%add3A, %scan3A_8, %dma_start3A_31] : memref<32x125x80xi32, #tpu.memory_space<hbm>> -> memref<1x1x80xi32, #tpu.memory_space<hbm>>
        %dma_start3A_33 = tpu.memref_squeeze %dma_start3A_32 : memref<1x1x80xi32, #tpu.memory_space<hbm>> -> memref<80xi32, #tpu.memory_space<hbm>>
        tpu.enqueue_dma source(%dma_start3A_33 : memref<80xi32, #tpu.memory_space<hbm>>) target(%arg9 : memref<80xi32, #tpu.memory_space<vmem>>) target_semaphore(%run_scoped3A : memref<!tpu.dma_semaphore, #tpu.memory_space<semaphore_mem>>)
        %dma_wait3A_34 = arith.constant 0 : i32
        %dma_wait3A_35 = tpu.memref_slice %arg4[%add3A, %scan3A_8, %dma_wait3A_34] : memref<32x125x80xi32, #tpu.memory_space<hbm>> -> memref<1x1x80xi32, #tpu.memory_space<hbm>>
        %dma_wait3A_36 = tpu.memref_squeeze %dma_wait3A_35 : memref<1x1x80xi32, #tpu.memory_space<hbm>> -> memref<80xi32, #tpu.memory_space<hbm>>
        %dma_wait3A_37 = arith.constant 0 : i32
        %dma_wait3A_38 = tpu.memref_slice %arg4[%add3A, %scan3A_8, %dma_wait3A_37] : memref<32x125x80xi32, #tpu.memory_space<hbm>> -> memref<1x1x80xi32, #tpu.memory_space<hbm>>
        %dma_wait3A_39 = tpu.memref_squeeze %dma_wait3A_38 : memref<1x1x80xi32, #tpu.memory_space<hbm>> -> memref<80xi32, #tpu.memory_space<hbm>>
        tpu.wait_dma2 semaphore(%run_scoped3A : memref<!tpu.dma_semaphore, #tpu.memory_space<semaphore_mem>>) src(%dma_wait3A_39 : memref<80xi32, #tpu.memory_space<hbm>>) dst(%arg9 : memref<80xi32, #tpu.memory_space<vmem>>)
        tpu.yield
      }) : () -> ()
      "tpu.region"() ({
        %run_scoped3A = tpu.sem_alloc : memref<!tpu.dma_semaphore, #tpu.memory_space<semaphore_mem>>
        %dma_start3A_28 = arith.constant 0 : i32
        %dma_start3A_29 = tpu.memref_slice %arg5[%add3A, %scan3A_8, %dma_start3A_28] : memref<32x125x80xi32, #tpu.memory_space<hbm>> -> memref<1x1x80xi32, #tpu.memory_space<hbm>>
        %dma_start3A_30 = tpu.memref_squeeze %dma_start3A_29 : memref<1x1x80xi32, #tpu.memory_space<hbm>> -> memref<80xi32, #tpu.memory_space<hbm>>
        %dma_start3A_31 = arith.constant 0 : i32
        %dma_start3A_32 = tpu.memref_slice %arg5[%add3A, %scan3A_8, %dma_start3A_31] : memref<32x125x80xi32, #tpu.memory_space<hbm>> -> memref<1x1x80xi32, #tpu.memory_space<hbm>>
        %dma_start3A_33 = tpu.memref_squeeze %dma_start3A_32 : memref<1x1x80xi32, #tpu.memory_space<hbm>> -> memref<80xi32, #tpu.memory_space<hbm>>
        tpu.enqueue_dma source(%dma_start3A_33 : memref<80xi32, #tpu.memory_space<hbm>>) target(%arg10 : memref<80xi32, #tpu.memory_space<vmem>>) target_semaphore(%run_scoped3A : memref<!tpu.dma_semaphore, #tpu.memory_space<semaphore_mem>>)
        %dma_wait3A_34 = arith.constant 0 : i32
        %dma_wait3A_35 = tpu.memref_slice %arg5[%add3A, %scan3A_8, %dma_wait3A_34] : memref<32x125x80xi32, #tpu.memory_space<hbm>> -> memref<1x1x80xi32, #tpu.memory_space<hbm>>
        %dma_wait3A_36 = tpu.memref_squeeze %dma_wait3A_35 : memref<1x1x80xi32, #tpu.memory_space<hbm>> -> memref<80xi32, #tpu.memory_space<hbm>>
        %dma_wait3A_37 = arith.constant 0 : i32
        %dma_wait3A_38 = tpu.memref_slice %arg5[%add3A, %scan3A_8, %dma_wait3A_37] : memref<32x125x80xi32, #tpu.memory_space<hbm>> -> memref<1x1x80xi32, #tpu.memory_space<hbm>>
        %dma_wait3A_39 = tpu.memref_squeeze %dma_wait3A_38 : memref<1x1x80xi32, #tpu.memory_space<hbm>> -> memref<80xi32, #tpu.memory_space<hbm>>
        tpu.wait_dma2 semaphore(%run_scoped3A : memref<!tpu.dma_semaphore, #tpu.memory_space<semaphore_mem>>) src(%dma_wait3A_39 : memref<80xi32, #tpu.memory_space<hbm>>) dst(%arg10 : memref<80xi32, #tpu.memory_space<vmem>>)
        tpu.yield
      }) : () -> ()
      %dma_start3A = arith.constant 0 : i32
      %dma_start3A_12 = arith.constant 0 : i32
      %dma_start3A_13 = tpu.memref_slice %arg2[%dma_start3A, %dma_start3A_12] : memref<10000x128xf32, #tpu.memory_space<hbm>> -> memref<10000x128xf32, #tpu.memory_space<hbm>>
      tpu.enqueue_indirect_dma source(%dma_start3A_13 : memref<10000x128xf32, #tpu.memory_space<hbm>>) target(%arg11 : memref<80x128xf32, #tpu.memory_space<vmem>>) offsets(%arg9 : memref<80xi32, #tpu.memory_space<vmem>>) semaphore(%arg14 : memref<!tpu.dma_semaphore, #tpu.memory_space<semaphore_mem>>)
      %dma_start3A_14 = arith.constant 0 : i32
      %dma_start3A_15 = arith.constant 0 : i32
      %dma_start3A_16 = tpu.memref_slice %arg2[%dma_start3A_14, %dma_start3A_15] : memref<10000x128xf32, #tpu.memory_space<hbm>> -> memref<10000x128xf32, #tpu.memory_space<hbm>>
      tpu.enqueue_indirect_dma source(%dma_start3A_16 : memref<10000x128xf32, #tpu.memory_space<hbm>>) target(%arg12 : memref<80x128xf32, #tpu.memory_space<vmem>>) offsets(%arg10 : memref<80xi32, #tpu.memory_space<vmem>>) semaphore(%arg14 : memref<!tpu.dma_semaphore, #tpu.memory_space<semaphore_mem>>)
      %dma_start3A_17 = arith.constant 0 : i32
      %dma_start3A_18 = arith.constant 0 : i32
      %dma_start3A_19 = tpu.memref_slice %arg3[%dma_start3A_17, %dma_start3A_18] : memref<10000x128xf32, #tpu.memory_space<hbm>> -> memref<10000x128xf32, #tpu.memory_space<hbm>>
      tpu.enqueue_indirect_dma source(%dma_start3A_19 : memref<10000x128xf32, #tpu.memory_space<hbm>>) target(%arg13 : memref<80x128xf32, #tpu.memory_space<vmem>>) offsets(%arg10 : memref<80xi32, #tpu.memory_space<vmem>>) semaphore(%arg14 : memref<!tpu.dma_semaphore, #tpu.memory_space<semaphore_mem>>)
      %dma_wait3A = arith.constant 0 : i32
      %dma_wait3A_20 = arith.constant 0 : i32
      %dma_wait3A_21 = tpu.memref_slice %arg2[%dma_wait3A, %dma_wait3A_20] : memref<10000x128xf32, #tpu.memory_space<hbm>> -> memref<10000x128xf32, #tpu.memory_space<hbm>>
      tpu.wait_indirect_dma semaphore(%arg14 : memref<!tpu.dma_semaphore, #tpu.memory_space<semaphore_mem>>) src(%dma_wait3A_21 : memref<10000x128xf32, #tpu.memory_space<hbm>>) dst(%arg11 : memref<80x128xf32, #tpu.memory_space<vmem>>)
      %dma_wait3A_22 = arith.constant 0 : i32
      %dma_wait3A_23 = arith.constant 0 : i32
      %dma_wait3A_24 = tpu.memref_slice %arg2[%dma_wait3A_22, %dma_wait3A_23] : memref<10000x128xf32, #tpu.memory_space<hbm>> -> memref<10000x128xf32, #tpu.memory_space<hbm>>
      tpu.wait_indirect_dma semaphore(%arg14 : memref<!tpu.dma_semaphore, #tpu.memory_space<semaphore_mem>>) src(%dma_wait3A_24 : memref<10000x128xf32, #tpu.memory_space<hbm>>) dst(%arg12 : memref<80x128xf32, #tpu.memory_space<vmem>>)
      %dma_wait3A_25 = arith.constant 0 : i32
      %dma_wait3A_26 = arith.constant 0 : i32
      %dma_wait3A_27 = tpu.memref_slice %arg3[%dma_wait3A_25, %dma_wait3A_26] : memref<10000x128xf32, #tpu.memory_space<hbm>> -> memref<10000x128xf32, #tpu.memory_space<hbm>>
      tpu.wait_indirect_dma semaphore(%arg14 : memref<!tpu.dma_semaphore, #tpu.memory_space<semaphore_mem>>) src(%dma_wait3A_27 : memref<10000x128xf32, #tpu.memory_space<hbm>>) dst(%arg13 : memref<80x128xf32, #tpu.memory_space<vmem>>)
      "tpu.region"() ({
        %run_scoped3A = tpu.sem_alloc : memref<!tpu.dma_semaphore, #tpu.memory_space<semaphore_mem>>
        %dma_start3A_28 = arith.constant 0 : i32
        %dma_start3A_29 = tpu.memref_slice %arg6[%add3A_11, %dma_start3A_28] : memref<320000x128xf32, #tpu.memory_space<hbm>> -> memref<80x128xf32, #tpu.memory_space<hbm>>
        %dma_start3A_30 = arith.constant 0 : i32
        %dma_start3A_31 = tpu.memref_slice %arg6[%add3A_11, %dma_start3A_30] : memref<320000x128xf32, #tpu.memory_space<hbm>> -> memref<80x128xf32, #tpu.memory_space<hbm>>
        tpu.enqueue_dma source(%arg11 : memref<80x128xf32, #tpu.memory_space<vmem>>) target(%dma_start3A_31 : memref<80x128xf32, #tpu.memory_space<hbm>>) target_semaphore(%run_scoped3A : memref<!tpu.dma_semaphore, #tpu.memory_space<semaphore_mem>>)
        %dma_wait3A_32 = arith.constant 0 : i32
        %dma_wait3A_33 = tpu.memref_slice %arg6[%add3A_11, %dma_wait3A_32] : memref<320000x128xf32, #tpu.memory_space<hbm>> -> memref<80x128xf32, #tpu.memory_space<hbm>>
        %dma_wait3A_34 = arith.constant 0 : i32
        %dma_wait3A_35 = tpu.memref_slice %arg6[%add3A_11, %dma_wait3A_34] : memref<320000x128xf32, #tpu.memory_space<hbm>> -> memref<80x128xf32, #tpu.memory_space<hbm>>
        tpu.wait_dma2 semaphore(%run_scoped3A : memref<!tpu.dma_semaphore, #tpu.memory_space<semaphore_mem>>) src(%arg11 : memref<80x128xf32, #tpu.memory_space<vmem>>) dst(%dma_wait3A_35 : memref<80x128xf32, #tpu.memory_space<hbm>>)
        tpu.yield
      }) : () -> ()
      "tpu.region"() ({
        %run_scoped3A = tpu.sem_alloc : memref<!tpu.dma_semaphore, #tpu.memory_space<semaphore_mem>>
        %dma_start3A_28 = arith.constant 0 : i32
        %dma_start3A_29 = tpu.memref_slice %arg7[%add3A_11, %dma_start3A_28] : memref<320000x128xf32, #tpu.memory_space<hbm>> -> memref<80x128xf32, #tpu.memory_space<hbm>>
        %dma_start3A_30 = arith.constant 0 : i32
        %dma_start3A_31 = tpu.memref_slice %arg7[%add3A_11, %dma_start3A_30] : memref<320000x128xf32, #tpu.memory_space<hbm>> -> memref<80x128xf32, #tpu.memory_space<hbm>>
        tpu.enqueue_dma source(%arg12 : memref<80x128xf32, #tpu.memory_space<vmem>>) target(%dma_start3A_31 : memref<80x128xf32, #tpu.memory_space<hbm>>) target_semaphore(%run_scoped3A : memref<!tpu.dma_semaphore, #tpu.memory_space<semaphore_mem>>)
        %dma_wait3A_32 = arith.constant 0 : i32
        %dma_wait3A_33 = tpu.memref_slice %arg7[%add3A_11, %dma_wait3A_32] : memref<320000x128xf32, #tpu.memory_space<hbm>> -> memref<80x128xf32, #tpu.memory_space<hbm>>
        %dma_wait3A_34 = arith.constant 0 : i32
        %dma_wait3A_35 = tpu.memref_slice %arg7[%add3A_11, %dma_wait3A_34] : memref<320000x128xf32, #tpu.memory_space<hbm>> -> memref<80x128xf32, #tpu.memory_space<hbm>>
        tpu.wait_dma2 semaphore(%run_scoped3A : memref<!tpu.dma_semaphore, #tpu.memory_space<semaphore_mem>>) src(%arg12 : memref<80x128xf32, #tpu.memory_space<vmem>>) dst(%dma_wait3A_35 : memref<80x128xf32, #tpu.memory_space<hbm>>)
        tpu.yield
      }) : () -> ()
      "tpu.region"() ({
        %run_scoped3A = tpu.sem_alloc : memref<!tpu.dma_semaphore, #tpu.memory_space<semaphore_mem>>
        %dma_start3A_28 = arith.constant 0 : i32
        %dma_start3A_29 = tpu.memref_slice %arg8[%add3A_11, %dma_start3A_28] : memref<320000x128xf32, #tpu.memory_space<hbm>> -> memref<80x128xf32, #tpu.memory_space<hbm>>
        %dma_start3A_30 = arith.constant 0 : i32
        %dma_start3A_31 = tpu.memref_slice %arg8[%add3A_11, %dma_start3A_30] : memref<320000x128xf32, #tpu.memory_space<hbm>> -> memref<80x128xf32, #tpu.memory_space<hbm>>
        tpu.enqueue_dma source(%arg13 : memref<80x128xf32, #tpu.memory_space<vmem>>) target(%dma_start3A_31 : memref<80x128xf32, #tpu.memory_space<hbm>>) target_semaphore(%run_scoped3A : memref<!tpu.dma_semaphore, #tpu.memory_space<semaphore_mem>>)
        %dma_wait3A_32 = arith.constant 0 : i32
        %dma_wait3A_33 = tpu.memref_slice %arg8[%add3A_11, %dma_wait3A_32] : memref<320000x128xf32, #tpu.memory_space<hbm>> -> memref<80x128xf32, #tpu.memory_space<hbm>>
        %dma_wait3A_34 = arith.constant 0 : i32
        %dma_wait3A_35 = tpu.memref_slice %arg8[%add3A_11, %dma_wait3A_34] : memref<320000x128xf32, #tpu.memory_space<hbm>> -> memref<80x128xf32, #tpu.memory_space<hbm>>
        tpu.wait_dma2 semaphore(%run_scoped3A : memref<!tpu.dma_semaphore, #tpu.memory_space<semaphore_mem>>) src(%arg13 : memref<80x128xf32, #tpu.memory_space<vmem>>) dst(%dma_wait3A_35 : memref<80x128xf32, #tpu.memory_space<hbm>>)
        tpu.yield
      }) : () -> ()
    }
    %scan3A_7 = arith.constant 125 : i32
    return
  }
}

module attributes {stable_mosaic.version = 14 : i64} {
  func.func @_deg_body(%arg0: i32, %arg1: memref<1x1x512xi32, #tpu.memory_space<vmem>>, %arg2: memref<10000x16xf32, #tpu.memory_space<vmem>>, %arg3: memref<10000x16xf32, #tpu.memory_space<vmem>>) attributes {dimension_semantics = [#tpu.dimension_semantics<arbitrary>], iteration_bounds = array<i64: 625>, scalar_prefetch = 0 : i64, scratch_operands = 1 : i64, tpu.core_type = #tpu.core_type<tc>, window_params = [{transform_indices = @transform_0, window_bounds = array<i64: 1, 1, 512>}, {pipeline_mode = #tpu.pipeline_mode<synchronous>, transform_indices = @transform_1, window_bounds = array<i64: 10000, 16>}]} {
    %eq3A = arith.constant 0 : i32
    %eq3A_0 = arith.cmpi eq, %arg0, %eq3A : i32
    %convert_element_type3A = arith.extui %eq3A_0 : i1 to i32
    %cond3A = arith.constant 0 : i32
    %cond3A_1 = arith.cmpi ne, %convert_element_type3A, %cond3A : i32
    scf.if %cond3A_1 {
      %broadcast_in_dim3A_103 = arith.constant 0.000000e+00 : f32
      %broadcast_in_dim3A_104 = vector.broadcast %broadcast_in_dim3A_103 : f32 to vector<10000x16xf32>
      %swap3A_105 = arith.constant 0 : index
      %swap3A_106 = arith.constant 0 : index
      %swap3A_107 = vector.load %arg3[%swap3A_105, %swap3A_106] : memref<10000x16xf32, #tpu.memory_space<vmem>>, vector<10000x16xf32>
      tpu.vector_store %arg3[%swap3A_105, %swap3A_106], %broadcast_in_dim3A_104 {strides = array<i32>} : memref<10000x16xf32, #tpu.memory_space<vmem>>, vector<10000x16xf32>,
    } else {
    }
    %get3A = arith.constant 0 : index
    %get3A_2 = arith.constant 0 : index
    %get3A_3 = arith.constant 0 : index
    %get3A_4 = vector.load %arg1[%get3A, %get3A_2, %get3A_3] : memref<1x1x512xi32, #tpu.memory_space<vmem>>, vector<1x1x512xi32>
    %get3A_5 = vector.shape_cast %get3A_4 : vector<1x1x512xi32> to vector<512xi32>
    %broadcast_in_dim3A = arith.constant 1.000000e+00 : bf16
    %broadcast_in_dim3A_6 = vector.broadcast %broadcast_in_dim3A : bf16 to vector<512x16xbf16>
    %iota3A = tpu.iota {dimensions = array<i32: 0>} : vector<2000x512xi32>
    %add3A = arith.constant 0 : i32
    %add3A_7 = vector.broadcast %add3A : i32 to vector<2000x512xi32>
    %add3A_8 = arith.addi %add3A_7, %iota3A : vector<2000x512xi32>
    %broadcast_in_dim3A_9 = vector.shape_cast %get3A_5 : vector<512xi32> to vector<1x512xi32>
    %eq3A_10 = vector.broadcast %broadcast_in_dim3A_9 : vector<1x512xi32> to vector<2000x512xi32>
    %eq3A_11 = arith.cmpi eq, %add3A_8, %eq3A_10 : vector<2000x512xi32>
    %convert_element_type3A_12 = arith.extui %eq3A_11 : vector<2000x512xi1> to vector<2000x512xi32>
    %convert_element_type3A_13 = arith.sitofp %convert_element_type3A_12 : vector<2000x512xi32> to vector<2000x512xf32>
    %convert_element_type3A_14 = arith.truncf %convert_element_type3A_13 : vector<2000x512xf32> to vector<2000x512xbf16>
    %get3A_15 = arith.constant 0 : index
    %get3A_16 = arith.constant 0 : index
    %get3A_17 = vector.load %arg3[%get3A_15, %get3A_16] : memref<10000x16xf32, #tpu.memory_space<vmem>>, vector<2000x16xf32>
    %dot_general3A = arith.constant dense<0.000000e+00> : vector<2000x16xf32>
    %dot_general3A_18 = tpu.matmul %convert_element_type3A_14, %broadcast_in_dim3A_6, %dot_general3A {dimension_numbers = #tpu.dot_dimension_numbers<[1], [0], [0], [1], [0, 0, 1, 1], [], []>, transpose_lhs_hint = false} : vector<2000x512xbf16>, vector<512x16xbf16>, vector<2000x16xf32> -> vector<2000x16xf32>
    %add3A_19 = arith.addf %get3A_17, %dot_general3A_18 : vector<2000x16xf32>
    %swap3A = arith.constant 0 : index
    %swap3A_20 = arith.constant 0 : index
    %swap3A_21 = vector.load %arg3[%swap3A, %swap3A_20] : memref<10000x16xf32, #tpu.memory_space<vmem>>, vector<2000x16xf32>
    tpu.vector_store %arg3[%swap3A, %swap3A_20], %add3A_19 {strides = array<i32>} : memref<10000x16xf32, #tpu.memory_space<vmem>>, vector<2000x16xf32>,
    %iota3A_22 = tpu.iota {dimensions = array<i32: 0>} : vector<2000x512xi32>
    %add3A_23 = arith.constant 2000 : i32
    %add3A_24 = vector.broadcast %add3A_23 : i32 to vector<2000x512xi32>
    %add3A_25 = arith.addi %add3A_24, %iota3A_22 : vector<2000x512xi32>
    %broadcast_in_dim3A_26 = vector.shape_cast %get3A_5 : vector<512xi32> to vector<1x512xi32>
    %eq3A_27 = vector.broadcast %broadcast_in_dim3A_26 : vector<1x512xi32> to vector<2000x512xi32>
    %eq3A_28 = arith.cmpi eq, %add3A_25, %eq3A_27 : vector<2000x512xi32>
    %convert_element_type3A_29 = arith.extui %eq3A_28 : vector<2000x512xi1> to vector<2000x512xi32>
    %convert_element_type3A_30 = arith.sitofp %convert_element_type3A_29 : vector<2000x512xi32> to vector<2000x512xf32>
    %convert_element_type3A_31 = arith.truncf %convert_element_type3A_30 : vector<2000x512xf32> to vector<2000x512xbf16>
    %get3A_32 = arith.constant 2000 : index
    %get3A_33 = arith.constant 0 : index
    %get3A_34 = vector.load %arg3[%get3A_32, %get3A_33] : memref<10000x16xf32, #tpu.memory_space<vmem>>, vector<2000x16xf32>
    %dot_general3A_35 = arith.constant dense<0.000000e+00> : vector<2000x16xf32>
    %dot_general3A_36 = tpu.matmul %convert_element_type3A_31, %broadcast_in_dim3A_6, %dot_general3A_35 {dimension_numbers = #tpu.dot_dimension_numbers<[1], [0], [0], [1], [0, 0, 1, 1], [], []>, transpose_lhs_hint = false} : vector<2000x512xbf16>, vector<512x16xbf16>, vector<2000x16xf32> -> vector<2000x16xf32>
    %add3A_37 = arith.addf %get3A_34, %dot_general3A_36 : vector<2000x16xf32>
    %swap3A_38 = arith.constant 2000 : index
    %swap3A_39 = arith.constant 0 : index
    %swap3A_40 = vector.load %arg3[%swap3A_38, %swap3A_39] : memref<10000x16xf32, #tpu.memory_space<vmem>>, vector<2000x16xf32>
    tpu.vector_store %arg3[%swap3A_38, %swap3A_39], %add3A_37 {strides = array<i32>} : memref<10000x16xf32, #tpu.memory_space<vmem>>, vector<2000x16xf32>,
    %iota3A_41 = tpu.iota {dimensions = array<i32: 0>} : vector<2000x512xi32>
    %add3A_42 = arith.constant 4000 : i32
    %add3A_43 = vector.broadcast %add3A_42 : i32 to vector<2000x512xi32>
    %add3A_44 = arith.addi %add3A_43, %iota3A_41 : vector<2000x512xi32>
    %broadcast_in_dim3A_45 = vector.shape_cast %get3A_5 : vector<512xi32> to vector<1x512xi32>
    %eq3A_46 = vector.broadcast %broadcast_in_dim3A_45 : vector<1x512xi32> to vector<2000x512xi32>
    %eq3A_47 = arith.cmpi eq, %add3A_44, %eq3A_46 : vector<2000x512xi32>
    %convert_element_type3A_48 = arith.extui %eq3A_47 : vector<2000x512xi1> to vector<2000x512xi32>
    %convert_element_type3A_49 = arith.sitofp %convert_element_type3A_48 : vector<2000x512xi32> to vector<2000x512xf32>
    %convert_element_type3A_50 = arith.truncf %convert_element_type3A_49 : vector<2000x512xf32> to vector<2000x512xbf16>
    %get3A_51 = arith.constant 4000 : index
    %get3A_52 = arith.constant 0 : index
    %get3A_53 = vector.load %arg3[%get3A_51, %get3A_52] : memref<10000x16xf32, #tpu.memory_space<vmem>>, vector<2000x16xf32>
    %dot_general3A_54 = arith.constant dense<0.000000e+00> : vector<2000x16xf32>
    %dot_general3A_55 = tpu.matmul %convert_element_type3A_50, %broadcast_in_dim3A_6, %dot_general3A_54 {dimension_numbers = #tpu.dot_dimension_numbers<[1], [0], [0], [1], [0, 0, 1, 1], [], []>, transpose_lhs_hint = false} : vector<2000x512xbf16>, vector<512x16xbf16>, vector<2000x16xf32> -> vector<2000x16xf32>
    %add3A_56 = arith.addf %get3A_53, %dot_general3A_55 : vector<2000x16xf32>
    %swap3A_57 = arith.constant 4000 : index
    %swap3A_58 = arith.constant 0 : index
    %swap3A_59 = vector.load %arg3[%swap3A_57, %swap3A_58] : memref<10000x16xf32, #tpu.memory_space<vmem>>, vector<2000x16xf32>
    tpu.vector_store %arg3[%swap3A_57, %swap3A_58], %add3A_56 {strides = array<i32>} : memref<10000x16xf32, #tpu.memory_space<vmem>>, vector<2000x16xf32>,
    %iota3A_60 = tpu.iota {dimensions = array<i32: 0>} : vector<2000x512xi32>
    %add3A_61 = arith.constant 6000 : i32
    %add3A_62 = vector.broadcast %add3A_61 : i32 to vector<2000x512xi32>
    %add3A_63 = arith.addi %add3A_62, %iota3A_60 : vector<2000x512xi32>
    %broadcast_in_dim3A_64 = vector.shape_cast %get3A_5 : vector<512xi32> to vector<1x512xi32>
    %eq3A_65 = vector.broadcast %broadcast_in_dim3A_64 : vector<1x512xi32> to vector<2000x512xi32>
    %eq3A_66 = arith.cmpi eq, %add3A_63, %eq3A_65 : vector<2000x512xi32>
    %convert_element_type3A_67 = arith.extui %eq3A_66 : vector<2000x512xi1> to vector<2000x512xi32>
    %convert_element_type3A_68 = arith.sitofp %convert_element_type3A_67 : vector<2000x512xi32> to vector<2000x512xf32>
    %convert_element_type3A_69 = arith.truncf %convert_element_type3A_68 : vector<2000x512xf32> to vector<2000x512xbf16>
    %get3A_70 = arith.constant 6000 : index
    %get3A_71 = arith.constant 0 : index
    %get3A_72 = vector.load %arg3[%get3A_70, %get3A_71] : memref<10000x16xf32, #tpu.memory_space<vmem>>, vector<2000x16xf32>
    %dot_general3A_73 = arith.constant dense<0.000000e+00> : vector<2000x16xf32>
    %dot_general3A_74 = tpu.matmul %convert_element_type3A_69, %broadcast_in_dim3A_6, %dot_general3A_73 {dimension_numbers = #tpu.dot_dimension_numbers<[1], [0], [0], [1], [0, 0, 1, 1], [], []>, transpose_lhs_hint = false} : vector<2000x512xbf16>, vector<512x16xbf16>, vector<2000x16xf32> -> vector<2000x16xf32>
    %add3A_75 = arith.addf %get3A_72, %dot_general3A_74 : vector<2000x16xf32>
    %swap3A_76 = arith.constant 6000 : index
    %swap3A_77 = arith.constant 0 : index
    %swap3A_78 = vector.load %arg3[%swap3A_76, %swap3A_77] : memref<10000x16xf32, #tpu.memory_space<vmem>>, vector<2000x16xf32>
    tpu.vector_store %arg3[%swap3A_76, %swap3A_77], %add3A_75 {strides = array<i32>} : memref<10000x16xf32, #tpu.memory_space<vmem>>, vector<2000x16xf32>,
    %iota3A_79 = tpu.iota {dimensions = array<i32: 0>} : vector<2000x512xi32>
    %add3A_80 = arith.constant 8000 : i32
    %add3A_81 = vector.broadcast %add3A_80 : i32 to vector<2000x512xi32>
    %add3A_82 = arith.addi %add3A_81, %iota3A_79 : vector<2000x512xi32>
    %broadcast_in_dim3A_83 = vector.shape_cast %get3A_5 : vector<512xi32> to vector<1x512xi32>
    %eq3A_84 = vector.broadcast %broadcast_in_dim3A_83 : vector<1x512xi32> to vector<2000x512xi32>
    %eq3A_85 = arith.cmpi eq, %add3A_82, %eq3A_84 : vector<2000x512xi32>
    %convert_element_type3A_86 = arith.extui %eq3A_85 : vector<2000x512xi1> to vector<2000x512xi32>
    %convert_element_type3A_87 = arith.sitofp %convert_element_type3A_86 : vector<2000x512xi32> to vector<2000x512xf32>
    %convert_element_type3A_88 = arith.truncf %convert_element_type3A_87 : vector<2000x512xf32> to vector<2000x512xbf16>
    %get3A_89 = arith.constant 8000 : index
    %get3A_90 = arith.constant 0 : index
    %get3A_91 = vector.load %arg3[%get3A_89, %get3A_90] : memref<10000x16xf32, #tpu.memory_space<vmem>>, vector<2000x16xf32>
    %dot_general3A_92 = arith.constant dense<0.000000e+00> : vector<2000x16xf32>
    %dot_general3A_93 = tpu.matmul %convert_element_type3A_88, %broadcast_in_dim3A_6, %dot_general3A_92 {dimension_numbers = #tpu.dot_dimension_numbers<[1], [0], [0], [1], [0, 0, 1, 1], [], []>, transpose_lhs_hint = false} : vector<2000x512xbf16>, vector<512x16xbf16>, vector<2000x16xf32> -> vector<2000x16xf32>
    %add3A_94 = arith.addf %get3A_91, %dot_general3A_93 : vector<2000x16xf32>
    %swap3A_95 = arith.constant 8000 : index
    %swap3A_96 = arith.constant 0 : index
    %swap3A_97 = vector.load %arg3[%swap3A_95, %swap3A_96] : memref<10000x16xf32, #tpu.memory_space<vmem>>, vector<2000x16xf32>
    tpu.vector_store %arg3[%swap3A_95, %swap3A_96], %add3A_94 {strides = array<i32>} : memref<10000x16xf32, #tpu.memory_space<vmem>>, vector<2000x16xf32>,
    %eq3A_98 = arith.constant 624 : i32
    %eq3A_99 = arith.cmpi eq, %arg0, %eq3A_98 : i32
    %convert_element_type3A_100 = arith.extui %eq3A_99 : i1 to i32
    %cond3A_101 = arith.constant 0 : i32
    %cond3A_102 = arith.cmpi ne, %convert_element_type3A_100, %cond3A_101 : i32
    scf.if %cond3A_102 {
      %get3A_103 = arith.constant 0 : index
      %get3A_104 = arith.constant 0 : index
      %get3A_105 = vector.load %arg3[%get3A_103, %get3A_104] : memref<10000x16xf32, #tpu.memory_space<vmem>>, vector<10000x16xf32>
      %swap3A_106 = arith.constant 0 : index
      %swap3A_107 = arith.constant 0 : index
      %swap3A_108 = vector.load %arg2[%swap3A_106, %swap3A_107] : memref<10000x16xf32, #tpu.memory_space<vmem>>, vector<10000x16xf32>
      tpu.vector_store %arg2[%swap3A_106, %swap3A_107], %get3A_105 {strides = array<i32>} : memref<10000x16xf32, #tpu.memory_space<vmem>>, vector<10000x16xf32>,
    } else {
    }
    return
  }
  func.func @transform_0(%arg0: i32) -> (i32, i32, i32) {
    %c0_i32 = arith.constant 0 : i32
    %c0_i32_0 = arith.constant 0 : i32
    %c0_i32_1 = arith.constant 0 : i32
    return %arg0, %c0_i32, %c0_i32_0 : i32, i32, i32
  }
  func.func @transform_1(%arg0: i32) -> (i32, i32) {
    %c0_i32 = arith.constant 0 : i32
    %c0_i32_0 = arith.constant 0 : i32
    %c0_i32_1 = arith.constant 0 : i32
    return %c0_i32, %c0_i32_0 : i32, i32
  }
}

module attributes {stable_mosaic.version = 14 : i64} {
  func.func @_qs_body(%arg0: i32, %arg1: memref<1000x128xf32, #tpu.memory_space<vmem>>, %arg2: memref<1000x16xf32, #tpu.memory_space<vmem>>, %arg3: memref<1x128xf32, #tpu.memory_space<vmem>>, %arg4: memref<1x128xf32, #tpu.memory_space<vmem>>, %arg5: memref<128x128xf32, #tpu.memory_space<vmem>>, %arg6: memref<1000x128xf32, #tpu.memory_space<vmem>>) attributes {dimension_semantics = [#tpu.dimension_semantics<arbitrary>], iteration_bounds = array<i64: 10>, scalar_prefetch = 0 : i64, scratch_operands = 0 : i64, tpu.core_type = #tpu.core_type<tc>, window_params = [{transform_indices = @transform_0, window_bounds = array<i64: 1000, 128>}, {transform_indices = @transform_1, window_bounds = array<i64: 1000, 16>}, {pipeline_mode = #tpu.pipeline_mode<synchronous>, transform_indices = @transform_2, window_bounds = array<i64: 1, 128>}, {pipeline_mode = #tpu.pipeline_mode<synchronous>, transform_indices = @transform_3, window_bounds = array<i64: 1, 128>}, {pipeline_mode = #tpu.pipeline_mode<synchronous>, transform_indices = @transform_4, window_bounds = array<i64: 128, 128>}, {transform_indices = @transform_5, window_bounds = array<i64: 1000, 128>}]} {
    %get3A = arith.constant 0 : index
    %get3A_0 = arith.constant 0 : index
    %get3A_1 = vector.load %arg1[%get3A, %get3A_0] : memref<1000x128xf32, #tpu.memory_space<vmem>>, vector<1000x128xf32>
    %reduce_sum3A = arith.constant dense<0.000000e+00> : vector<1000xf32>
    %reduce_sum3A_2 = vector.multi_reduction <add>, %get3A_1, %reduce_sum3A [1] : vector<1000x128xf32> to vector<1000xf32>
    %broadcast_in_dim3A = vector.shape_cast %reduce_sum3A_2 : vector<1000xf32> to vector<1000x1xf32>
    %div3A = arith.constant 1.280000e+02 : f32
    %div3A_3 = vector.broadcast %div3A : f32 to vector<1000x1xf32>
    %div3A_4 = arith.divf %broadcast_in_dim3A, %div3A_3 : vector<1000x1xf32>
    %sub3A = vector.broadcast %div3A_4 : vector<1000x1xf32> to vector<1000x128xf32>
    %sub3A_5 = arith.subf %get3A_1, %sub3A : vector<1000x128xf32>
    %integer_pow3A = arith.mulf %sub3A_5, %sub3A_5 : vector<1000x128xf32>
    %reduce_sum3A_6 = arith.constant dense<0.000000e+00> : vector<1000xf32>
    %reduce_sum3A_7 = vector.multi_reduction <add>, %integer_pow3A, %reduce_sum3A_6 [1] : vector<1000x128xf32> to vector<1000xf32>
    %broadcast_in_dim3A_8 = vector.shape_cast %reduce_sum3A_7 : vector<1000xf32> to vector<1000x1xf32>
    %div3A_9 = arith.constant 1.280000e+02 : f32
    %div3A_10 = vector.broadcast %div3A_9 : f32 to vector<1000x1xf32>
    %div3A_11 = arith.divf %broadcast_in_dim3A_8, %div3A_10 : vector<1000x1xf32>
    %sub3A_12 = vector.broadcast %div3A_4 : vector<1000x1xf32> to vector<1000x128xf32>
    %sub3A_13 = arith.subf %get3A_1, %sub3A_12 : vector<1000x128xf32>
    %add3A = arith.constant 9.99999974E-6 : f32
    %add3A_14 = vector.broadcast %add3A : f32 to vector<1000x1xf32>
    %add3A_15 = arith.addf %div3A_11, %add3A_14 : vector<1000x1xf32>
    %rsqrt3A = math.rsqrt %add3A_15 : vector<1000x1xf32>
    %mul3A = vector.broadcast %rsqrt3A : vector<1000x1xf32> to vector<1000x128xf32>
    %mul3A_16 = arith.mulf %sub3A_13, %mul3A : vector<1000x128xf32>
    %get3A_17 = arith.constant 0 : index
    %get3A_18 = arith.constant 0 : index
    %get3A_19 = vector.load %arg3[%get3A_17, %get3A_18] : memref<1x128xf32, #tpu.memory_space<vmem>>, vector<1x128xf32>
    %mul3A_20 = vector.broadcast %get3A_19 : vector<1x128xf32> to vector<1000x128xf32>
    %mul3A_21 = arith.mulf %mul3A_16, %mul3A_20 : vector<1000x128xf32>
    %get3A_22 = arith.constant 0 : index
    %get3A_23 = arith.constant 0 : index
    %get3A_24 = vector.load %arg4[%get3A_22, %get3A_23] : memref<1x128xf32, #tpu.memory_space<vmem>>, vector<1x128xf32>
    %add3A_25 = vector.broadcast %get3A_24 : vector<1x128xf32> to vector<1000x128xf32>
    %add3A_26 = arith.addf %mul3A_21, %add3A_25 : vector<1000x128xf32>
    %get3A_27 = arith.constant 0 : index
    %get3A_28 = arith.constant 0 : index
    %get3A_29 = vector.load %arg5[%get3A_27, %get3A_28] : memref<128x128xf32, #tpu.memory_space<vmem>>, vector<128x128xf32>
    %dot_general3A = arith.constant dense<0.000000e+00> : vector<1000x128xf32>
    %dot_general3A_30 = tpu.matmul %add3A_26, %get3A_29, %dot_general3A {dimension_numbers = #tpu.dot_dimension_numbers<[1], [0], [0], [1], [0, 0, 1, 1], [], []>, transpose_lhs_hint = false} : vector<1000x128xf32>, vector<128x128xf32>, vector<1000x128xf32> -> vector<1000x128xf32>
    %get3A_31 = arith.constant 0 : index
    %get3A_32 = arith.constant 0 : index
    %get3A_33 = vector.load %arg2[%get3A_31, %get3A_32] : memref<1000x16xf32, #tpu.memory_space<vmem>>, vector<1000x1xf32>
    %add3A_34 = arith.constant 1.000000e+00 : f32
    %add3A_35 = vector.broadcast %add3A_34 : f32 to vector<1000x1xf32>
    %add3A_36 = arith.addf %get3A_33, %add3A_35 : vector<1000x1xf32>
    %log3A = math.log %add3A_36 : vector<1000x1xf32>
    %mul3A_37 = arith.constant 0.0510069728 : f32
    %mul3A_38 = vector.broadcast %mul3A_37 : f32 to vector<1000x1xf32>
    %mul3A_39 = arith.mulf %log3A, %mul3A_38 : vector<1000x1xf32>
    %mul3A_40 = vector.broadcast %mul3A_39 : vector<1000x1xf32> to vector<1000x128xf32>
    %mul3A_41 = arith.mulf %dot_general3A_30, %mul3A_40 : vector<1000x128xf32>
    %swap3A = arith.constant 0 : index
    %swap3A_42 = arith.constant 0 : index
    %swap3A_43 = vector.load %arg6[%swap3A, %swap3A_42] : memref<1000x128xf32, #tpu.memory_space<vmem>>, vector<1000x128xf32>
    tpu.vector_store %arg6[%swap3A, %swap3A_42], %mul3A_41 {strides = array<i32>} : memref<1000x128xf32, #tpu.memory_space<vmem>>, vector<1000x128xf32>,
    return
  }
  func.func @transform_0(%arg0: i32) -> (i32, i32) {
    %c0_i32 = arith.constant 0 : i32
    %c0_i32_0 = arith.constant 0 : i32
    return %arg0, %c0_i32 : i32, i32
  }
  func.func @transform_1(%arg0: i32) -> (i32, i32) {
    %c0_i32 = arith.constant 0 : i32
    %c0_i32_0 = arith.constant 0 : i32
    return %arg0, %c0_i32 : i32, i32
  }
  func.func @transform_2(%arg0: i32) -> (i32, i32) {
    %c0_i32 = arith.constant 0 : i32
    %c0_i32_0 = arith.constant 0 : i32
    %c0_i32_1 = arith.constant 0 : i32
    return %c0_i32, %c0_i32_0 : i32, i32
  }
  func.func @transform_3(%arg0: i32) -> (i32, i32) {
    %c0_i32 = arith.constant 0 : i32
    %c0_i32_0 = arith.constant 0 : i32
    %c0_i32_1 = arith.constant 0 : i32
    return %c0_i32, %c0_i32_0 : i32, i32
  }
  func.func @transform_4(%arg0: i32) -> (i32, i32) {
    %c0_i32 = arith.constant 0 : i32
    %c0_i32_0 = arith.constant 0 : i32
    %c0_i32_1 = arith.constant 0 : i32
    return %c0_i32, %c0_i32_0 : i32, i32
  }
  func.func @transform_5(%arg0: i32) -> (i32, i32) {
    %c0_i32 = arith.constant 0 : i32
    %c0_i32_0 = arith.constant 0 : i32
    return %arg0, %c0_i32 : i32, i32
  }
}

module attributes {stable_mosaic.version = 14 : i64} {
  func.func @_edge_body(%arg0: i32, %arg1: memref<512x128xf32, #tpu.memory_space<vmem>>, %arg2: memref<512x128xf32, #tpu.memory_space<vmem>>, %arg3: memref<512x128xf32, #tpu.memory_space<vmem>>, %arg4: memref<512x128xf32, #tpu.memory_space<vmem>>, %arg5: memref<1x384xf32, #tpu.memory_space<vmem>>, %arg6: memref<1x384xf32, #tpu.memory_space<vmem>>, %arg7: memref<384x512xf32, #tpu.memory_space<vmem>>, %arg8: memref<1x512xf32, #tpu.memory_space<vmem>>, %arg9: memref<512x128xf32, #tpu.memory_space<vmem>>, %arg10: memref<1x128xf32, #tpu.memory_space<vmem>>, %arg11: memref<1x128xf32, #tpu.memory_space<vmem>>, %arg12: memref<1x128xf32, #tpu.memory_space<vmem>>, %arg13: memref<128x128xf32, #tpu.memory_space<vmem>>, %arg14: memref<128x128xf32, #tpu.memory_space<vmem>>, %arg15: memref<512x128xf32, #tpu.memory_space<vmem>>, %arg16: memref<512x16xf32, #tpu.memory_space<vmem>>) attributes {dimension_semantics = [#tpu.dimension_semantics<arbitrary>], iteration_bounds = array<i64: 625>, scalar_prefetch = 0 : i64, scratch_operands = 0 : i64, tpu.core_type = #tpu.core_type<tc>, window_params = [{transform_indices = @transform_0, window_bounds = array<i64: 512, 128>}, {transform_indices = @transform_1, window_bounds = array<i64: 512, 128>}, {transform_indices = @transform_2, window_bounds = array<i64: 512, 128>}, {transform_indices = @transform_3, window_bounds = array<i64: 512, 128>}, {pipeline_mode = #tpu.pipeline_mode<synchronous>, transform_indices = @transform_4, window_bounds = array<i64: 1, 384>}, {pipeline_mode = #tpu.pipeline_mode<synchronous>, transform_indices = @transform_5, window_bounds = array<i64: 1, 384>}, {pipeline_mode = #tpu.pipeline_mode<synchronous>, transform_indices = @transform_6, window_bounds = array<i64: 384, 512>}, {pipeline_mode = #tpu.pipeline_mode<synchronous>, transform_indices = @transform_7, window_bounds = array<i64: 1, 512>}, {pipeline_mode = #tpu.pipeline_mode<synchronous>, transform_indices = @transform_8, window_bounds = array<i64: 512, 128>}, {pipeline_mode = #tpu.pipeline_mode<synchronous>, transform_indices = @transform_9, window_bounds = array<i64: 1, 128>}, {pipeline_mode = #tpu.pipeline_mode<synchronous>, transform_indices = @transform_10, window_bounds = array<i64: 1, 128>}, {pipeline_mode = #tpu.pipeline_mode<synchronous>, transform_indices = @transform_11, window_bounds = array<i64: 1, 128>}, {pipeline_mode = #tpu.pipeline_mode<synchronous>, transform_indices = @transform_12, window_bounds = array<i64: 128, 128>}, {pipeline_mode = #tpu.pipeline_mode<synchronous>, transform_indices = @transform_13, window_bounds = array<i64: 128, 128>}, {transform_indices = @transform_14, window_bounds = array<i64: 512, 128>}, {transform_indices = @transform_15, window_bounds = array<i64: 512, 16>}]} {
    %get3A = arith.constant 0 : index
    %get3A_0 = arith.constant 0 : index
    %get3A_1 = vector.load %arg1[%get3A, %get3A_0] : memref<512x128xf32, #tpu.memory_space<vmem>>, vector<512x128xf32>
    %get3A_2 = arith.constant 0 : index
    %get3A_3 = arith.constant 0 : index
    %get3A_4 = vector.load %arg2[%get3A_2, %get3A_3] : memref<512x128xf32, #tpu.memory_space<vmem>>, vector<512x128xf32>
    %get3A_5 = arith.constant 0 : index
    %get3A_6 = arith.constant 0 : index
    %get3A_7 = vector.load %arg3[%get3A_5, %get3A_6] : memref<512x128xf32, #tpu.memory_space<vmem>>, vector<512x128xf32>
    %reduce_sum3A = arith.constant dense<0.000000e+00> : vector<512xf32>
    %reduce_sum3A_8 = vector.multi_reduction <add>, %get3A_1, %reduce_sum3A [1] : vector<512x128xf32> to vector<512xf32>
    %broadcast_in_dim3A = vector.shape_cast %reduce_sum3A_8 : vector<512xf32> to vector<512x1xf32>
    %reduce_sum3A_9 = arith.constant dense<0.000000e+00> : vector<512xf32>
    %reduce_sum3A_10 = vector.multi_reduction <add>, %get3A_4, %reduce_sum3A_9 [1] : vector<512x128xf32> to vector<512xf32>
    %broadcast_in_dim3A_11 = vector.shape_cast %reduce_sum3A_10 : vector<512xf32> to vector<512x1xf32>
    %add3A = arith.addf %broadcast_in_dim3A, %broadcast_in_dim3A_11 : vector<512x1xf32>
    %reduce_sum3A_12 = arith.constant dense<0.000000e+00> : vector<512xf32>
    %reduce_sum3A_13 = vector.multi_reduction <add>, %get3A_7, %reduce_sum3A_12 [1] : vector<512x128xf32> to vector<512xf32>
    %broadcast_in_dim3A_14 = vector.shape_cast %reduce_sum3A_13 : vector<512xf32> to vector<512x1xf32>
    %add3A_15 = arith.addf %add3A, %broadcast_in_dim3A_14 : vector<512x1xf32>
    %mul3A = arith.constant 0.00260416674 : f32
    %mul3A_16 = vector.broadcast %mul3A : f32 to vector<512x1xf32>
    %mul3A_17 = arith.mulf %add3A_15, %mul3A_16 : vector<512x1xf32>
    %sub3A = vector.broadcast %mul3A_17 : vector<512x1xf32> to vector<512x128xf32>
    %sub3A_18 = arith.subf %get3A_1, %sub3A : vector<512x128xf32>
    %integer_pow3A = arith.mulf %sub3A_18, %sub3A_18 : vector<512x128xf32>
    %reduce_sum3A_19 = arith.constant dense<0.000000e+00> : vector<512xf32>
    %reduce_sum3A_20 = vector.multi_reduction <add>, %integer_pow3A, %reduce_sum3A_19 [1] : vector<512x128xf32> to vector<512xf32>
    %broadcast_in_dim3A_21 = vector.shape_cast %reduce_sum3A_20 : vector<512xf32> to vector<512x1xf32>
    %sub3A_22 = vector.broadcast %mul3A_17 : vector<512x1xf32> to vector<512x128xf32>
    %sub3A_23 = arith.subf %get3A_4, %sub3A_22 : vector<512x128xf32>
    %integer_pow3A_24 = arith.mulf %sub3A_23, %sub3A_23 : vector<512x128xf32>
    %reduce_sum3A_25 = arith.constant dense<0.000000e+00> : vector<512xf32>
    %reduce_sum3A_26 = vector.multi_reduction <add>, %integer_pow3A_24, %reduce_sum3A_25 [1] : vector<512x128xf32> to vector<512xf32>
    %broadcast_in_dim3A_27 = vector.shape_cast %reduce_sum3A_26 : vector<512xf32> to vector<512x1xf32>
    %add3A_28 = arith.addf %broadcast_in_dim3A_21, %broadcast_in_dim3A_27 : vector<512x1xf32>
    %sub3A_29 = vector.broadcast %mul3A_17 : vector<512x1xf32> to vector<512x128xf32>
    %sub3A_30 = arith.subf %get3A_7, %sub3A_29 : vector<512x128xf32>
    %integer_pow3A_31 = arith.mulf %sub3A_30, %sub3A_30 : vector<512x128xf32>
    %reduce_sum3A_32 = arith.constant dense<0.000000e+00> : vector<512xf32>
    %reduce_sum3A_33 = vector.multi_reduction <add>, %integer_pow3A_31, %reduce_sum3A_32 [1] : vector<512x128xf32> to vector<512xf32>
    %broadcast_in_dim3A_34 = vector.shape_cast %reduce_sum3A_33 : vector<512xf32> to vector<512x1xf32>
    %add3A_35 = arith.addf %add3A_28, %broadcast_in_dim3A_34 : vector<512x1xf32>
    %mul3A_36 = arith.constant 0.00260416674 : f32
    %mul3A_37 = vector.broadcast %mul3A_36 : f32 to vector<512x1xf32>
    %mul3A_38 = arith.mulf %add3A_35, %mul3A_37 : vector<512x1xf32>
    %add3A_39 = arith.constant 9.99999974E-6 : f32
    %add3A_40 = vector.broadcast %add3A_39 : f32 to vector<512x1xf32>
    %add3A_41 = arith.addf %mul3A_38, %add3A_40 : vector<512x1xf32>
    %rsqrt3A = math.rsqrt %add3A_41 : vector<512x1xf32>
    %get3A_42 = arith.constant 0 : index
    %get3A_43 = arith.constant 0 : index
    %get3A_44 = vector.load %arg5[%get3A_42, %get3A_43] : memref<1x384xf32, #tpu.memory_space<vmem>>, vector<1x384xf32>
    %get3A_45 = arith.constant 0 : index
    %get3A_46 = arith.constant 0 : index
    %get3A_47 = vector.load %arg6[%get3A_45, %get3A_46] : memref<1x384xf32, #tpu.memory_space<vmem>>, vector<1x384xf32>
    %sub3A_48 = vector.broadcast %mul3A_17 : vector<512x1xf32> to vector<512x128xf32>
    %sub3A_49 = arith.subf %get3A_1, %sub3A_48 : vector<512x128xf32>
    %mul3A_50 = vector.broadcast %rsqrt3A : vector<512x1xf32> to vector<512x128xf32>
    %mul3A_51 = arith.mulf %sub3A_49, %mul3A_50 : vector<512x128xf32>
    %slice3A = vector.extract_strided_slice %get3A_44 {offsets = [0, 0], sizes = [1, 128], strides = [1, 1]} : vector<1x384xf32> to vector<1x128xf32>
    %mul3A_52 = vector.broadcast %slice3A : vector<1x128xf32> to vector<512x128xf32>
    %mul3A_53 = arith.mulf %mul3A_51, %mul3A_52 : vector<512x128xf32>
    %slice3A_54 = vector.extract_strided_slice %get3A_47 {offsets = [0, 0], sizes = [1, 128], strides = [1, 1]} : vector<1x384xf32> to vector<1x128xf32>
    %add3A_55 = vector.broadcast %slice3A_54 : vector<1x128xf32> to vector<512x128xf32>
    %add3A_56 = arith.addf %mul3A_53, %add3A_55 : vector<512x128xf32>
    %sub3A_57 = vector.broadcast %mul3A_17 : vector<512x1xf32> to vector<512x128xf32>
    %sub3A_58 = arith.subf %get3A_4, %sub3A_57 : vector<512x128xf32>
    %mul3A_59 = vector.broadcast %rsqrt3A : vector<512x1xf32> to vector<512x128xf32>
    %mul3A_60 = arith.mulf %sub3A_58, %mul3A_59 : vector<512x128xf32>
    %slice3A_61 = vector.extract_strided_slice %get3A_44 {offsets = [0, 128], sizes = [1, 128], strides = [1, 1]} : vector<1x384xf32> to vector<1x128xf32>
    %mul3A_62 = vector.broadcast %slice3A_61 : vector<1x128xf32> to vector<512x128xf32>
    %mul3A_63 = arith.mulf %mul3A_60, %mul3A_62 : vector<512x128xf32>
    %slice3A_64 = vector.extract_strided_slice %get3A_47 {offsets = [0, 128], sizes = [1, 128], strides = [1, 1]} : vector<1x384xf32> to vector<1x128xf32>
    %add3A_65 = vector.broadcast %slice3A_64 : vector<1x128xf32> to vector<512x128xf32>
    %add3A_66 = arith.addf %mul3A_63, %add3A_65 : vector<512x128xf32>
    %sub3A_67 = vector.broadcast %mul3A_17 : vector<512x1xf32> to vector<512x128xf32>
    %sub3A_68 = arith.subf %get3A_7, %sub3A_67 : vector<512x128xf32>
    %mul3A_69 = vector.broadcast %rsqrt3A : vector<512x1xf32> to vector<512x128xf32>
    %mul3A_70 = arith.mulf %sub3A_68, %mul3A_69 : vector<512x128xf32>
    %slice3A_71 = vector.extract_strided_slice %get3A_44 {offsets = [0, 256], sizes = [1, 128], strides = [1, 1]} : vector<1x384xf32> to vector<1x128xf32>
    %mul3A_72 = vector.broadcast %slice3A_71 : vector<1x128xf32> to vector<512x128xf32>
    %mul3A_73 = arith.mulf %mul3A_70, %mul3A_72 : vector<512x128xf32>
    %slice3A_74 = vector.extract_strided_slice %get3A_47 {offsets = [0, 256], sizes = [1, 128], strides = [1, 1]} : vector<1x384xf32> to vector<1x128xf32>
    %add3A_75 = vector.broadcast %slice3A_74 : vector<1x128xf32> to vector<512x128xf32>
    %add3A_76 = arith.addf %mul3A_73, %add3A_75 : vector<512x128xf32>
    %concatenate3A = tpu.concatenate %add3A_56, %add3A_66, %add3A_76 in 1 : vector<512x128xf32>, vector<512x128xf32>, vector<512x128xf32> -> vector<512x384xf32>
    %get3A_77 = arith.constant 0 : index
    %get3A_78 = arith.constant 0 : index
    %get3A_79 = vector.load %arg7[%get3A_77, %get3A_78] : memref<384x512xf32, #tpu.memory_space<vmem>>, vector<384x512xf32>
    %dot_general3A = arith.constant dense<0.000000e+00> : vector<512x512xf32>
    %dot_general3A_80 = tpu.matmul %concatenate3A, %get3A_79, %dot_general3A {dimension_numbers = #tpu.dot_dimension_numbers<[1], [0], [0], [1], [0, 0, 1, 1], [], []>, transpose_lhs_hint = false} : vector<512x384xf32>, vector<384x512xf32>, vector<512x512xf32> -> vector<512x512xf32>
    %get3A_81 = arith.constant 0 : index
    %get3A_82 = arith.constant 0 : index
    %get3A_83 = vector.load %arg8[%get3A_81, %get3A_82] : memref<1x512xf32, #tpu.memory_space<vmem>>, vector<1x512xf32>
    %add3A_84 = vector.broadcast %get3A_83 : vector<1x512xf32> to vector<512x512xf32>
    %add3A_85 = arith.addf %dot_general3A_80, %add3A_84 : vector<512x512xf32>
    %max3A = arith.constant 0.000000e+00 : f32
    %max3A_86 = vector.broadcast %max3A : f32 to vector<512x512xf32>
    %max3A_87 = arith.maximumf %add3A_85, %max3A_86 : vector<512x512xf32>
    %get3A_88 = arith.constant 0 : index
    %get3A_89 = arith.constant 0 : index
    %get3A_90 = vector.load %arg9[%get3A_88, %get3A_89] : memref<512x128xf32, #tpu.memory_space<vmem>>, vector<512x128xf32>
    %dot_general3A_91 = arith.constant dense<0.000000e+00> : vector<512x128xf32>
    %dot_general3A_92 = tpu.matmul %max3A_87, %get3A_90, %dot_general3A_91 {dimension_numbers = #tpu.dot_dimension_numbers<[1], [0], [0], [1], [0, 0, 1, 1], [], []>, transpose_lhs_hint = false} : vector<512x512xf32>, vector<512x128xf32>, vector<512x128xf32> -> vector<512x128xf32>
    %get3A_93 = arith.constant 0 : index
    %get3A_94 = arith.constant 0 : index
    %get3A_95 = vector.load %arg10[%get3A_93, %get3A_94] : memref<1x128xf32, #tpu.memory_space<vmem>>, vector<1x128xf32>
    %add3A_96 = vector.broadcast %get3A_95 : vector<1x128xf32> to vector<512x128xf32>
    %add3A_97 = arith.addf %dot_general3A_92, %add3A_96 : vector<512x128xf32>
    %reduce_sum3A_98 = arith.constant dense<0.000000e+00> : vector<512xf32>
    %reduce_sum3A_99 = vector.multi_reduction <add>, %add3A_97, %reduce_sum3A_98 [1] : vector<512x128xf32> to vector<512xf32>
    %broadcast_in_dim3A_100 = vector.shape_cast %reduce_sum3A_99 : vector<512xf32> to vector<512x1xf32>
    %div3A = arith.constant 1.280000e+02 : f32
    %div3A_101 = vector.broadcast %div3A : f32 to vector<512x1xf32>
    %div3A_102 = arith.divf %broadcast_in_dim3A_100, %div3A_101 : vector<512x1xf32>
    %sub3A_103 = vector.broadcast %div3A_102 : vector<512x1xf32> to vector<512x128xf32>
    %sub3A_104 = arith.subf %add3A_97, %sub3A_103 : vector<512x128xf32>
    %integer_pow3A_105 = arith.mulf %sub3A_104, %sub3A_104 : vector<512x128xf32>
    %reduce_sum3A_106 = arith.constant dense<0.000000e+00> : vector<512xf32>
    %reduce_sum3A_107 = vector.multi_reduction <add>, %integer_pow3A_105, %reduce_sum3A_106 [1] : vector<512x128xf32> to vector<512xf32>
    %broadcast_in_dim3A_108 = vector.shape_cast %reduce_sum3A_107 : vector<512xf32> to vector<512x1xf32>
    %div3A_109 = arith.constant 1.280000e+02 : f32
    %div3A_110 = vector.broadcast %div3A_109 : f32 to vector<512x1xf32>
    %div3A_111 = arith.divf %broadcast_in_dim3A_108, %div3A_110 : vector<512x1xf32>
    %sub3A_112 = vector.broadcast %div3A_102 : vector<512x1xf32> to vector<512x128xf32>
    %sub3A_113 = arith.subf %add3A_97, %sub3A_112 : vector<512x128xf32>
    %add3A_114 = arith.constant 9.99999974E-6 : f32
    %add3A_115 = vector.broadcast %add3A_114 : f32 to vector<512x1xf32>
    %add3A_116 = arith.addf %div3A_111, %add3A_115 : vector<512x1xf32>
    %rsqrt3A_117 = math.rsqrt %add3A_116 : vector<512x1xf32>
    %mul3A_118 = vector.broadcast %rsqrt3A_117 : vector<512x1xf32> to vector<512x128xf32>
    %mul3A_119 = arith.mulf %sub3A_113, %mul3A_118 : vector<512x128xf32>
    %get3A_120 = arith.constant 0 : index
    %get3A_121 = arith.constant 0 : index
    %get3A_122 = vector.load %arg11[%get3A_120, %get3A_121] : memref<1x128xf32, #tpu.memory_space<vmem>>, vector<1x128xf32>
    %mul3A_123 = vector.broadcast %get3A_122 : vector<1x128xf32> to vector<512x128xf32>
    %mul3A_124 = arith.mulf %mul3A_119, %mul3A_123 : vector<512x128xf32>
    %get3A_125 = arith.constant 0 : index
    %get3A_126 = arith.constant 0 : index
    %get3A_127 = vector.load %arg12[%get3A_125, %get3A_126] : memref<1x128xf32, #tpu.memory_space<vmem>>, vector<1x128xf32>
    %add3A_128 = vector.broadcast %get3A_127 : vector<1x128xf32> to vector<512x128xf32>
    %add3A_129 = arith.addf %mul3A_124, %add3A_128 : vector<512x128xf32>
    %get3A_130 = arith.constant 0 : index
    %get3A_131 = arith.constant 0 : index
    %get3A_132 = vector.load %arg13[%get3A_130, %get3A_131] : memref<128x128xf32, #tpu.memory_space<vmem>>, vector<128x128xf32>
    %dot_general3A_133 = arith.constant dense<0.000000e+00> : vector<512x128xf32>
    %dot_general3A_134 = tpu.matmul %add3A_129, %get3A_132, %dot_general3A_133 {dimension_numbers = #tpu.dot_dimension_numbers<[1], [0], [0], [1], [0, 0, 1, 1], [], []>, transpose_lhs_hint = false} : vector<512x128xf32>, vector<128x128xf32>, vector<512x128xf32> -> vector<512x128xf32>
    %get3A_135 = arith.constant 0 : index
    %get3A_136 = arith.constant 0 : index
    %get3A_137 = vector.load %arg14[%get3A_135, %get3A_136] : memref<128x128xf32, #tpu.memory_space<vmem>>, vector<128x128xf32>
    %dot_general3A_138 = arith.constant dense<0.000000e+00> : vector<512x128xf32>
    %dot_general3A_139 = tpu.matmul %add3A_129, %get3A_137, %dot_general3A_138 {dimension_numbers = #tpu.dot_dimension_numbers<[1], [0], [0], [1], [0, 0, 1, 1], [], []>, transpose_lhs_hint = false} : vector<512x128xf32>, vector<128x128xf32>, vector<512x128xf32> -> vector<512x128xf32>
    %iota3A = tpu.iota {dimensions = array<i32: 0>} : vector<128x4xi32>
    %jit3A = arith.constant 32 : i32
    %div3A_140 = vector.broadcast %jit3A : i32 to vector<128x4xi32>
    %div3A_141 = arith.divsi %iota3A, %div3A_140 : vector<128x4xi32>
    %sign3A = arith.constant 0 : i32
    %sign3A_142 = vector.broadcast %sign3A : i32 to vector<128x4xi32>
    %sign3A_143 = arith.cmpi sgt, %iota3A, %sign3A_142 : vector<128x4xi32>
    %sign3A_144 = arith.extui %sign3A_143 : vector<128x4xi1> to vector<128x4xi32>
    %sign3A_145 = arith.constant 0 : i32
    %sign3A_146 = vector.broadcast %sign3A_145 : i32 to vector<128x4xi32>
    %sign3A_147 = arith.cmpi slt, %iota3A, %sign3A_146 : vector<128x4xi32>
    %sign3A_148 = arith.extui %sign3A_147 : vector<128x4xi1> to vector<128x4xi32>
    %sign3A_149 = arith.subi %sign3A_144, %sign3A_148 : vector<128x4xi32>
    %sign3A_150 = arith.constant 0 : i32
    %sign3A_151 = arith.cmpi sgt, %jit3A, %sign3A_150 : i32
    %sign3A_152 = arith.extui %sign3A_151 : i1 to i32
    %sign3A_153 = arith.constant 0 : i32
    %sign3A_154 = arith.cmpi slt, %jit3A, %sign3A_153 : i32
    %sign3A_155 = arith.extui %sign3A_154 : i1 to i32
    %sign3A_156 = arith.subi %sign3A_152, %sign3A_155 : i32
    %ne3A = vector.broadcast %sign3A_156 : i32 to vector<128x4xi32>
    %ne3A_157 = arith.cmpi ne, %sign3A_149, %ne3A : vector<128x4xi32>
    %rem3A = vector.broadcast %jit3A : i32 to vector<128x4xi32>
    %rem3A_158 = arith.remsi %iota3A, %rem3A : vector<128x4xi32>
    %ne3A_159 = arith.constant 0 : i32
    %ne3A_160 = vector.broadcast %ne3A_159 : i32 to vector<128x4xi32>
    %ne3A_161 = arith.cmpi ne, %rem3A_158, %ne3A_160 : vector<128x4xi32>
    %and3A = arith.andi %ne3A_157, %ne3A_161 : vector<128x4xi1>
    %sub3A_162 = arith.constant 1 : i32
    %sub3A_163 = vector.broadcast %sub3A_162 : i32 to vector<128x4xi32>
    %sub3A_164 = arith.subi %div3A_141, %sub3A_163 : vector<128x4xi32>
    %select_n3A = arith.select %and3A, %sub3A_164, %div3A_141 : vector<128x4xi1>, vector<128x4xi32>
    %iota3A_165 = tpu.iota {dimensions = array<i32: 1>} : vector<128x4xi32>
    %eq3A = arith.cmpi eq, %select_n3A, %iota3A_165 : vector<128x4xi32>
    %convert_element_type3A = arith.extui %eq3A : vector<128x4xi1> to vector<128x4xi32>
    %convert_element_type3A_166 = arith.sitofp %convert_element_type3A : vector<128x4xi32> to vector<128x4xf32>
    %get3A_167 = arith.constant 0 : index
    %get3A_168 = arith.constant 0 : index
    %get3A_169 = vector.load %arg4[%get3A_167, %get3A_168] : memref<512x128xf32, #tpu.memory_space<vmem>>, vector<512x128xf32>
    %mul3A_170 = arith.mulf %get3A_169, %dot_general3A_134 : vector<512x128xf32>
    %dot_general3A_171 = arith.constant dense<0.000000e+00> : vector<512x4xf32>
    %dot_general3A_172 = tpu.matmul %mul3A_170, %convert_element_type3A_166, %dot_general3A_171 {dimension_numbers = #tpu.dot_dimension_numbers<[1], [0], [0], [1], [0, 0, 1, 1], [], []>, transpose_lhs_hint = false} : vector<512x128xf32>, vector<128x4xf32>, vector<512x4xf32> -> vector<512x4xf32>
    %exp3A = math.exp %dot_general3A_172 : vector<512x4xf32>
    %iota3A_173 = tpu.iota {dimensions = array<i32: 1>} : vector<4x128xi32>
    %jit3A_174 = arith.constant 32 : i32
    %div3A_175 = vector.broadcast %jit3A_174 : i32 to vector<4x128xi32>
    %div3A_176 = arith.divsi %iota3A_173, %div3A_175 : vector<4x128xi32>
    %sign3A_177 = arith.constant 0 : i32
    %sign3A_178 = vector.broadcast %sign3A_177 : i32 to vector<4x128xi32>
    %sign3A_179 = arith.cmpi sgt, %iota3A_173, %sign3A_178 : vector<4x128xi32>
    %sign3A_180 = arith.extui %sign3A_179 : vector<4x128xi1> to vector<4x128xi32>
    %sign3A_181 = arith.constant 0 : i32
    %sign3A_182 = vector.broadcast %sign3A_181 : i32 to vector<4x128xi32>
    %sign3A_183 = arith.cmpi slt, %iota3A_173, %sign3A_182 : vector<4x128xi32>
    %sign3A_184 = arith.extui %sign3A_183 : vector<4x128xi1> to vector<4x128xi32>
    %sign3A_185 = arith.subi %sign3A_180, %sign3A_184 : vector<4x128xi32>
    %sign3A_186 = arith.constant 0 : i32
    %sign3A_187 = arith.cmpi sgt, %jit3A_174, %sign3A_186 : i32
    %sign3A_188 = arith.extui %sign3A_187 : i1 to i32
    %sign3A_189 = arith.constant 0 : i32
    %sign3A_190 = arith.cmpi slt, %jit3A_174, %sign3A_189 : i32
    %sign3A_191 = arith.extui %sign3A_190 : i1 to i32
    %sign3A_192 = arith.subi %sign3A_188, %sign3A_191 : i32
    %ne3A_193 = vector.broadcast %sign3A_192 : i32 to vector<4x128xi32>
    %ne3A_194 = arith.cmpi ne, %sign3A_185, %ne3A_193 : vector<4x128xi32>
    %rem3A_195 = vector.broadcast %jit3A_174 : i32 to vector<4x128xi32>
    %rem3A_196 = arith.remsi %iota3A_173, %rem3A_195 : vector<4x128xi32>
    %ne3A_197 = arith.constant 0 : i32
    %ne3A_198 = vector.broadcast %ne3A_197 : i32 to vector<4x128xi32>
    %ne3A_199 = arith.cmpi ne, %rem3A_196, %ne3A_198 : vector<4x128xi32>
    %and3A_200 = arith.andi %ne3A_194, %ne3A_199 : vector<4x128xi1>
    %sub3A_201 = arith.constant 1 : i32
    %sub3A_202 = vector.broadcast %sub3A_201 : i32 to vector<4x128xi32>
    %sub3A_203 = arith.subi %div3A_176, %sub3A_202 : vector<4x128xi32>
    %select_n3A_204 = arith.select %and3A_200, %sub3A_203, %div3A_176 : vector<4x128xi1>, vector<4x128xi32>
    %iota3A_205 = tpu.iota {dimensions = array<i32: 0>} : vector<4x128xi32>
    %eq3A_206 = arith.cmpi eq, %select_n3A_204, %iota3A_205 : vector<4x128xi32>
    %convert_element_type3A_207 = arith.extui %eq3A_206 : vector<4x128xi1> to vector<4x128xi32>
    %convert_element_type3A_208 = arith.sitofp %convert_element_type3A_207 : vector<4x128xi32> to vector<4x128xf32>
    %dot_general3A_209 = arith.constant dense<0.000000e+00> : vector<512x128xf32>
    %dot_general3A_210 = tpu.matmul %exp3A, %convert_element_type3A_208, %dot_general3A_209 {dimension_numbers = #tpu.dot_dimension_numbers<[1], [0], [0], [1], [0, 0, 1, 1], [], []>, transpose_lhs_hint = false} : vector<512x4xf32>, vector<4x128xf32>, vector<512x128xf32> -> vector<512x128xf32>
    %mul3A_211 = arith.mulf %dot_general3A_210, %dot_general3A_139 : vector<512x128xf32>
    %swap3A = arith.constant 0 : index
    %swap3A_212 = arith.constant 0 : index
    %swap3A_213 = vector.load %arg15[%swap3A, %swap3A_212] : memref<512x128xf32, #tpu.memory_space<vmem>>, vector<512x128xf32>
    tpu.vector_store %arg15[%swap3A, %swap3A_212], %mul3A_211 {strides = array<i32>} : memref<512x128xf32, #tpu.memory_space<vmem>>, vector<512x128xf32>,
    %broadcast_in_dim3A_214 = arith.constant 0.000000e+00 : f32
    %broadcast_in_dim3A_215 = vector.broadcast %broadcast_in_dim3A_214 : f32 to vector<512x12xf32>
    %concatenate3A_216 = tpu.concatenate %exp3A, %broadcast_in_dim3A_215 in 1 : vector<512x4xf32>, vector<512x12xf32> -> vector<512x16xf32>
    %swap3A_217 = arith.constant 0 : index
    %swap3A_218 = arith.constant 0 : index
    %swap3A_219 = vector.load %arg16[%swap3A_217, %swap3A_218] : memref<512x16xf32, #tpu.memory_space<vmem>>, vector<512x16xf32>
    tpu.vector_store %arg16[%swap3A_217, %swap3A_218], %concatenate3A_216 {strides = array<i32>} : memref<512x16xf32, #tpu.memory_space<vmem>>, vector<512x16xf32>,
    return
  }
  func.func @transform_0(%arg0: i32) -> (i32, i32) {
    %c0_i32 = arith.constant 0 : i32
    %c0_i32_0 = arith.constant 0 : i32
    return %arg0, %c0_i32 : i32, i32
  }
  func.func @transform_1(%arg0: i32) -> (i32, i32) {
    %c0_i32 = arith.constant 0 : i32
    %c0_i32_0 = arith.constant 0 : i32
    return %arg0, %c0_i32 : i32, i32
  }
  func.func @transform_2(%arg0: i32) -> (i32, i32) {
    %c0_i32 = arith.constant 0 : i32
    %c0_i32_0 = arith.constant 0 : i32
    return %arg0, %c0_i32 : i32, i32
  }
  func.func @transform_3(%arg0: i32) -> (i32, i32) {
    %c0_i32 = arith.constant 0 : i32
    %c0_i32_0 = arith.constant 0 : i32
    return %arg0, %c0_i32 : i32, i32
  }
  func.func @transform_4(%arg0: i32) -> (i32, i32) {
    %c0_i32 = arith.constant 0 : i32
    %c0_i32_0 = arith.constant 0 : i32
    %c0_i32_1 = arith.constant 0 : i32
    return %c0_i32, %c0_i32_0 : i32, i32
  }
  func.func @transform_5(%arg0: i32) -> (i32, i32) {
    %c0_i32 = arith.constant 0 : i32
    %c0_i32_0 = arith.constant 0 : i32
    %c0_i32_1 = arith.constant 0 : i32
    return %c0_i32, %c0_i32_0 : i32, i32
  }
  func.func @transform_6(%arg0: i32) -> (i32, i32) {
    %c0_i32 = arith.constant 0 : i32
    %c0_i32_0 = arith.constant 0 : i32
    %c0_i32_1 = arith.constant 0 : i32
    return %c0_i32, %c0_i32_0 : i32, i32
  }
  func.func @transform_7(%arg0: i32) -> (i32, i32) {
    %c0_i32 = arith.constant 0 : i32
    %c0_i32_0 = arith.constant 0 : i32
    %c0_i32_1 = arith.constant 0 : i32
    return %c0_i32, %c0_i32_0 : i32, i32
  }
  func.func @transform_8(%arg0: i32) -> (i32, i32) {
    %c0_i32 = arith.constant 0 : i32
    %c0_i32_0 = arith.constant 0 : i32
    %c0_i32_1 = arith.constant 0 : i32
    return %c0_i32, %c0_i32_0 : i32, i32
  }
  func.func @transform_9(%arg0: i32) -> (i32, i32) {
    %c0_i32 = arith.constant 0 : i32
    %c0_i32_0 = arith.constant 0 : i32
    %c0_i32_1 = arith.constant 0 : i32
    return %c0_i32, %c0_i32_0 : i32, i32
  }
  func.func @transform_10(%arg0: i32) -> (i32, i32) {
    %c0_i32 = arith.constant 0 : i32
    %c0_i32_0 = arith.constant 0 : i32
    %c0_i32_1 = arith.constant 0 : i32
    return %c0_i32, %c0_i32_0 : i32, i32
  }
  func.func @transform_11(%arg0: i32) -> (i32, i32) {
    %c0_i32 = arith.constant 0 : i32
    %c0_i32_0 = arith.constant 0 : i32
    %c0_i32_1 = arith.constant 0 : i32
    return %c0_i32, %c0_i32_0 : i32, i32
  }
  func.func @transform_12(%arg0: i32) -> (i32, i32) {
    %c0_i32 = arith.constant 0 : i32
    %c0_i32_0 = arith.constant 0 : i32
    %c0_i32_1 = arith.constant 0 : i32
    return %c0_i32, %c0_i32_0 : i32, i32
  }
  func.func @transform_13(%arg0: i32) -> (i32, i32) {
    %c0_i32 = arith.constant 0 : i32
    %c0_i32_0 = arith.constant 0 : i32
    %c0_i32_1 = arith.constant 0 : i32
    return %c0_i32, %c0_i32_0 : i32, i32
  }
  func.func @transform_14(%arg0: i32) -> (i32, i32) {
    %c0_i32 = arith.constant 0 : i32
    %c0_i32_0 = arith.constant 0 : i32
    return %arg0, %c0_i32 : i32, i32
  }
  func.func @transform_15(%arg0: i32) -> (i32, i32) {
    %c0_i32 = arith.constant 0 : i32
    %c0_i32_0 = arith.constant 0 : i32
    return %arg0, %c0_i32 : i32, i32
  }
}

module attributes {stable_mosaic.version = 14 : i64} {
  func.func @_seg_body(%arg0: i32, %arg1: memref<1x1x512xi32, #tpu.memory_space<vmem>>, %arg2: memref<512x128xf32, #tpu.memory_space<vmem>>, %arg3: memref<512x16xf32, #tpu.memory_space<vmem>>, %arg4: memref<10000x144xf32, #tpu.memory_space<vmem>>, %arg5: memref<10000x144xf32, #tpu.memory_space<vmem>>) attributes {dimension_semantics = [#tpu.dimension_semantics<arbitrary>], iteration_bounds = array<i64: 625>, scalar_prefetch = 0 : i64, scratch_operands = 1 : i64, tpu.core_type = #tpu.core_type<tc>, window_params = [{transform_indices = @transform_0, window_bounds = array<i64: 1, 1, 512>}, {transform_indices = @transform_1, window_bounds = array<i64: 512, 128>}, {transform_indices = @transform_2, window_bounds = array<i64: 512, 16>}, {pipeline_mode = #tpu.pipeline_mode<synchronous>, transform_indices = @transform_3, window_bounds = array<i64: 10000, 144>}]} {
    %eq3A = arith.constant 0 : i32
    %eq3A_0 = arith.cmpi eq, %arg0, %eq3A : i32
    %convert_element_type3A = arith.extui %eq3A_0 : i1 to i32
    %cond3A = arith.constant 0 : i32
    %cond3A_1 = arith.cmpi ne, %convert_element_type3A, %cond3A : i32
    scf.if %cond3A_1 {
      %broadcast_in_dim3A_108 = arith.constant 0.000000e+00 : f32
      %broadcast_in_dim3A_109 = vector.broadcast %broadcast_in_dim3A_108 : f32 to vector<10000x144xf32>
      %swap3A_110 = arith.constant 0 : index
      %swap3A_111 = arith.constant 0 : index
      %swap3A_112 = vector.load %arg5[%swap3A_110, %swap3A_111] : memref<10000x144xf32, #tpu.memory_space<vmem>>, vector<10000x144xf32>
      tpu.vector_store %arg5[%swap3A_110, %swap3A_111], %broadcast_in_dim3A_109 {strides = array<i32>} : memref<10000x144xf32, #tpu.memory_space<vmem>>, vector<10000x144xf32>,
    } else {
    }
    %get3A = arith.constant 0 : index
    %get3A_2 = arith.constant 0 : index
    %get3A_3 = arith.constant 0 : index
    %get3A_4 = vector.load %arg1[%get3A, %get3A_2, %get3A_3] : memref<1x1x512xi32, #tpu.memory_space<vmem>>, vector<1x1x512xi32>
    %get3A_5 = vector.shape_cast %get3A_4 : vector<1x1x512xi32> to vector<512xi32>
    %get3A_6 = arith.constant 0 : index
    %get3A_7 = arith.constant 0 : index
    %get3A_8 = vector.load %arg2[%get3A_6, %get3A_7] : memref<512x128xf32, #tpu.memory_space<vmem>>, vector<512x128xf32>
    %get3A_9 = arith.constant 0 : index
    %get3A_10 = arith.constant 0 : index
    %get3A_11 = vector.load %arg3[%get3A_9, %get3A_10] : memref<512x16xf32, #tpu.memory_space<vmem>>, vector<512x16xf32>
    %concatenate3A = tpu.concatenate %get3A_8, %get3A_11 in 1 : vector<512x128xf32>, vector<512x16xf32> -> vector<512x144xf32>
    %convert_element_type3A_12 = arith.truncf %concatenate3A : vector<512x144xf32> to vector<512x144xbf16>
    %iota3A = tpu.iota {dimensions = array<i32: 0>} : vector<2000x512xi32>
    %add3A = arith.constant 0 : i32
    %add3A_13 = vector.broadcast %add3A : i32 to vector<2000x512xi32>
    %add3A_14 = arith.addi %add3A_13, %iota3A : vector<2000x512xi32>
    %broadcast_in_dim3A = vector.shape_cast %get3A_5 : vector<512xi32> to vector<1x512xi32>
    %eq3A_15 = vector.broadcast %broadcast_in_dim3A : vector<1x512xi32> to vector<2000x512xi32>
    %eq3A_16 = arith.cmpi eq, %add3A_14, %eq3A_15 : vector<2000x512xi32>
    %convert_element_type3A_17 = arith.extui %eq3A_16 : vector<2000x512xi1> to vector<2000x512xi32>
    %convert_element_type3A_18 = arith.sitofp %convert_element_type3A_17 : vector<2000x512xi32> to vector<2000x512xf32>
    %convert_element_type3A_19 = arith.truncf %convert_element_type3A_18 : vector<2000x512xf32> to vector<2000x512xbf16>
    %get3A_20 = arith.constant 0 : index
    %get3A_21 = arith.constant 0 : index
    %get3A_22 = vector.load %arg5[%get3A_20, %get3A_21] : memref<10000x144xf32, #tpu.memory_space<vmem>>, vector<2000x144xf32>
    %dot_general3A = arith.constant dense<0.000000e+00> : vector<2000x144xf32>
    %dot_general3A_23 = tpu.matmul %convert_element_type3A_19, %convert_element_type3A_12, %dot_general3A {dimension_numbers = #tpu.dot_dimension_numbers<[1], [0], [0], [1], [0, 0, 1, 1], [], []>, transpose_lhs_hint = false} : vector<2000x512xbf16>, vector<512x144xbf16>, vector<2000x144xf32> -> vector<2000x144xf32>
    %add3A_24 = arith.addf %get3A_22, %dot_general3A_23 : vector<2000x144xf32>
    %swap3A = arith.constant 0 : index
    %swap3A_25 = arith.constant 0 : index
    %swap3A_26 = vector.load %arg5[%swap3A, %swap3A_25] : memref<10000x144xf32, #tpu.memory_space<vmem>>, vector<2000x144xf32>
    tpu.vector_store %arg5[%swap3A, %swap3A_25], %add3A_24 {strides = array<i32>} : memref<10000x144xf32, #tpu.memory_space<vmem>>, vector<2000x144xf32>,
    %iota3A_27 = tpu.iota {dimensions = array<i32: 0>} : vector<2000x512xi32>
    %add3A_28 = arith.constant 2000 : i32
    %add3A_29 = vector.broadcast %add3A_28 : i32 to vector<2000x512xi32>
    %add3A_30 = arith.addi %add3A_29, %iota3A_27 : vector<2000x512xi32>
    %broadcast_in_dim3A_31 = vector.shape_cast %get3A_5 : vector<512xi32> to vector<1x512xi32>
    %eq3A_32 = vector.broadcast %broadcast_in_dim3A_31 : vector<1x512xi32> to vector<2000x512xi32>
    %eq3A_33 = arith.cmpi eq, %add3A_30, %eq3A_32 : vector<2000x512xi32>
    %convert_element_type3A_34 = arith.extui %eq3A_33 : vector<2000x512xi1> to vector<2000x512xi32>
    %convert_element_type3A_35 = arith.sitofp %convert_element_type3A_34 : vector<2000x512xi32> to vector<2000x512xf32>
    %convert_element_type3A_36 = arith.truncf %convert_element_type3A_35 : vector<2000x512xf32> to vector<2000x512xbf16>
    %get3A_37 = arith.constant 2000 : index
    %get3A_38 = arith.constant 0 : index
    %get3A_39 = vector.load %arg5[%get3A_37, %get3A_38] : memref<10000x144xf32, #tpu.memory_space<vmem>>, vector<2000x144xf32>
    %dot_general3A_40 = arith.constant dense<0.000000e+00> : vector<2000x144xf32>
    %dot_general3A_41 = tpu.matmul %convert_element_type3A_36, %convert_element_type3A_12, %dot_general3A_40 {dimension_numbers = #tpu.dot_dimension_numbers<[1], [0], [0], [1], [0, 0, 1, 1], [], []>, transpose_lhs_hint = false} : vector<2000x512xbf16>, vector<512x144xbf16>, vector<2000x144xf32> -> vector<2000x144xf32>
    %add3A_42 = arith.addf %get3A_39, %dot_general3A_41 : vector<2000x144xf32>
    %swap3A_43 = arith.constant 2000 : index
    %swap3A_44 = arith.constant 0 : index
    %swap3A_45 = vector.load %arg5[%swap3A_43, %swap3A_44] : memref<10000x144xf32, #tpu.memory_space<vmem>>, vector<2000x144xf32>
    tpu.vector_store %arg5[%swap3A_43, %swap3A_44], %add3A_42 {strides = array<i32>} : memref<10000x144xf32, #tpu.memory_space<vmem>>, vector<2000x144xf32>,
    %iota3A_46 = tpu.iota {dimensions = array<i32: 0>} : vector<2000x512xi32>
    %add3A_47 = arith.constant 4000 : i32
    %add3A_48 = vector.broadcast %add3A_47 : i32 to vector<2000x512xi32>
    %add3A_49 = arith.addi %add3A_48, %iota3A_46 : vector<2000x512xi32>
    %broadcast_in_dim3A_50 = vector.shape_cast %get3A_5 : vector<512xi32> to vector<1x512xi32>
    %eq3A_51 = vector.broadcast %broadcast_in_dim3A_50 : vector<1x512xi32> to vector<2000x512xi32>
    %eq3A_52 = arith.cmpi eq, %add3A_49, %eq3A_51 : vector<2000x512xi32>
    %convert_element_type3A_53 = arith.extui %eq3A_52 : vector<2000x512xi1> to vector<2000x512xi32>
    %convert_element_type3A_54 = arith.sitofp %convert_element_type3A_53 : vector<2000x512xi32> to vector<2000x512xf32>
    %convert_element_type3A_55 = arith.truncf %convert_element_type3A_54 : vector<2000x512xf32> to vector<2000x512xbf16>
    %get3A_56 = arith.constant 4000 : index
    %get3A_57 = arith.constant 0 : index
    %get3A_58 = vector.load %arg5[%get3A_56, %get3A_57] : memref<10000x144xf32, #tpu.memory_space<vmem>>, vector<2000x144xf32>
    %dot_general3A_59 = arith.constant dense<0.000000e+00> : vector<2000x144xf32>
    %dot_general3A_60 = tpu.matmul %convert_element_type3A_55, %convert_element_type3A_12, %dot_general3A_59 {dimension_numbers = #tpu.dot_dimension_numbers<[1], [0], [0], [1], [0, 0, 1, 1], [], []>, transpose_lhs_hint = false} : vector<2000x512xbf16>, vector<512x144xbf16>, vector<2000x144xf32> -> vector<2000x144xf32>
    %add3A_61 = arith.addf %get3A_58, %dot_general3A_60 : vector<2000x144xf32>
    %swap3A_62 = arith.constant 4000 : index
    %swap3A_63 = arith.constant 0 : index
    %swap3A_64 = vector.load %arg5[%swap3A_62, %swap3A_63] : memref<10000x144xf32, #tpu.memory_space<vmem>>, vector<2000x144xf32>
    tpu.vector_store %arg5[%swap3A_62, %swap3A_63], %add3A_61 {strides = array<i32>} : memref<10000x144xf32, #tpu.memory_space<vmem>>, vector<2000x144xf32>,
    %iota3A_65 = tpu.iota {dimensions = array<i32: 0>} : vector<2000x512xi32>
    %add3A_66 = arith.constant 6000 : i32
    %add3A_67 = vector.broadcast %add3A_66 : i32 to vector<2000x512xi32>
    %add3A_68 = arith.addi %add3A_67, %iota3A_65 : vector<2000x512xi32>
    %broadcast_in_dim3A_69 = vector.shape_cast %get3A_5 : vector<512xi32> to vector<1x512xi32>
    %eq3A_70 = vector.broadcast %broadcast_in_dim3A_69 : vector<1x512xi32> to vector<2000x512xi32>
    %eq3A_71 = arith.cmpi eq, %add3A_68, %eq3A_70 : vector<2000x512xi32>
    %convert_element_type3A_72 = arith.extui %eq3A_71 : vector<2000x512xi1> to vector<2000x512xi32>
    %convert_element_type3A_73 = arith.sitofp %convert_element_type3A_72 : vector<2000x512xi32> to vector<2000x512xf32>
    %convert_element_type3A_74 = arith.truncf %convert_element_type3A_73 : vector<2000x512xf32> to vector<2000x512xbf16>
    %get3A_75 = arith.constant 6000 : index
    %get3A_76 = arith.constant 0 : index
    %get3A_77 = vector.load %arg5[%get3A_75, %get3A_76] : memref<10000x144xf32, #tpu.memory_space<vmem>>, vector<2000x144xf32>
    %dot_general3A_78 = arith.constant dense<0.000000e+00> : vector<2000x144xf32>
    %dot_general3A_79 = tpu.matmul %convert_element_type3A_74, %convert_element_type3A_12, %dot_general3A_78 {dimension_numbers = #tpu.dot_dimension_numbers<[1], [0], [0], [1], [0, 0, 1, 1], [], []>, transpose_lhs_hint = false} : vector<2000x512xbf16>, vector<512x144xbf16>, vector<2000x144xf32> -> vector<2000x144xf32>
    %add3A_80 = arith.addf %get3A_77, %dot_general3A_79 : vector<2000x144xf32>
    %swap3A_81 = arith.constant 6000 : index
    %swap3A_82 = arith.constant 0 : index
    %swap3A_83 = vector.load %arg5[%swap3A_81, %swap3A_82] : memref<10000x144xf32, #tpu.memory_space<vmem>>, vector<2000x144xf32>
    tpu.vector_store %arg5[%swap3A_81, %swap3A_82], %add3A_80 {strides = array<i32>} : memref<10000x144xf32, #tpu.memory_space<vmem>>, vector<2000x144xf32>,
    %iota3A_84 = tpu.iota {dimensions = array<i32: 0>} : vector<2000x512xi32>
    %add3A_85 = arith.constant 8000 : i32
    %add3A_86 = vector.broadcast %add3A_85 : i32 to vector<2000x512xi32>
    %add3A_87 = arith.addi %add3A_86, %iota3A_84 : vector<2000x512xi32>
    %broadcast_in_dim3A_88 = vector.shape_cast %get3A_5 : vector<512xi32> to vector<1x512xi32>
    %eq3A_89 = vector.broadcast %broadcast_in_dim3A_88 : vector<1x512xi32> to vector<2000x512xi32>
    %eq3A_90 = arith.cmpi eq, %add3A_87, %eq3A_89 : vector<2000x512xi32>
    %convert_element_type3A_91 = arith.extui %eq3A_90 : vector<2000x512xi1> to vector<2000x512xi32>
    %convert_element_type3A_92 = arith.sitofp %convert_element_type3A_91 : vector<2000x512xi32> to vector<2000x512xf32>
    %convert_element_type3A_93 = arith.truncf %convert_element_type3A_92 : vector<2000x512xf32> to vector<2000x512xbf16>
    %get3A_94 = arith.constant 8000 : index
    %get3A_95 = arith.constant 0 : index
    %get3A_96 = vector.load %arg5[%get3A_94, %get3A_95] : memref<10000x144xf32, #tpu.memory_space<vmem>>, vector<2000x144xf32>
    %dot_general3A_97 = arith.constant dense<0.000000e+00> : vector<2000x144xf32>
    %dot_general3A_98 = tpu.matmul %convert_element_type3A_93, %convert_element_type3A_12, %dot_general3A_97 {dimension_numbers = #tpu.dot_dimension_numbers<[1], [0], [0], [1], [0, 0, 1, 1], [], []>, transpose_lhs_hint = false} : vector<2000x512xbf16>, vector<512x144xbf16>, vector<2000x144xf32> -> vector<2000x144xf32>
    %add3A_99 = arith.addf %get3A_96, %dot_general3A_98 : vector<2000x144xf32>
    %swap3A_100 = arith.constant 8000 : index
    %swap3A_101 = arith.constant 0 : index
    %swap3A_102 = vector.load %arg5[%swap3A_100, %swap3A_101] : memref<10000x144xf32, #tpu.memory_space<vmem>>, vector<2000x144xf32>
    tpu.vector_store %arg5[%swap3A_100, %swap3A_101], %add3A_99 {strides = array<i32>} : memref<10000x144xf32, #tpu.memory_space<vmem>>, vector<2000x144xf32>,
    %eq3A_103 = arith.constant 624 : i32
    %eq3A_104 = arith.cmpi eq, %arg0, %eq3A_103 : i32
    %convert_element_type3A_105 = arith.extui %eq3A_104 : i1 to i32
    %cond3A_106 = arith.constant 0 : i32
    %cond3A_107 = arith.cmpi ne, %convert_element_type3A_105, %cond3A_106 : i32
    scf.if %cond3A_107 {
      %get3A_108 = arith.constant 0 : index
      %get3A_109 = arith.constant 0 : index
      %get3A_110 = vector.load %arg5[%get3A_108, %get3A_109] : memref<10000x144xf32, #tpu.memory_space<vmem>>, vector<10000x144xf32>
      %swap3A_111 = arith.constant 0 : index
      %swap3A_112 = arith.constant 0 : index
      %swap3A_113 = vector.load %arg4[%swap3A_111, %swap3A_112] : memref<10000x144xf32, #tpu.memory_space<vmem>>, vector<10000x144xf32>
      tpu.vector_store %arg4[%swap3A_111, %swap3A_112], %get3A_110 {strides = array<i32>} : memref<10000x144xf32, #tpu.memory_space<vmem>>, vector<10000x144xf32>,
    } else {
    }
    return
  }
  func.func @transform_0(%arg0: i32) -> (i32, i32, i32) {
    %c0_i32 = arith.constant 0 : i32
    %c0_i32_0 = arith.constant 0 : i32
    %c0_i32_1 = arith.constant 0 : i32
    return %arg0, %c0_i32, %c0_i32_0 : i32, i32, i32
  }
  func.func @transform_1(%arg0: i32) -> (i32, i32) {
    %c0_i32 = arith.constant 0 : i32
    %c0_i32_0 = arith.constant 0 : i32
    return %arg0, %c0_i32 : i32, i32
  }
  func.func @transform_2(%arg0: i32) -> (i32, i32) {
    %c0_i32 = arith.constant 0 : i32
    %c0_i32_0 = arith.constant 0 : i32
    return %arg0, %c0_i32 : i32, i32
  }
  func.func @transform_3(%arg0: i32) -> (i32, i32) {
    %c0_i32 = arith.constant 0 : i32
    %c0_i32_0 = arith.constant 0 : i32
    %c0_i32_1 = arith.constant 0 : i32
    return %c0_i32, %c0_i32_0 : i32, i32
  }
}

module attributes {stable_mosaic.version = 14 : i64} {
  func.func @_node_body(%arg0: i32, %arg1: memref<1000x128xf32, #tpu.memory_space<vmem>>, %arg2: memref<1000x144xf32, #tpu.memory_space<vmem>>, %arg3: memref<128x128xf32, #tpu.memory_space<vmem>>, %arg4: memref<1x128xf32, #tpu.memory_space<vmem>>, %arg5: memref<128x128xf32, #tpu.memory_space<vmem>>, %arg6: memref<1x128xf32, #tpu.memory_space<vmem>>, %arg7: memref<128x128xf32, #tpu.memory_space<vmem>>, %arg8: memref<128x128xf32, #tpu.memory_space<vmem>>, %arg9: memref<1x128xf32, #tpu.memory_space<vmem>>, %arg10: memref<1x128xf32, #tpu.memory_space<vmem>>, %arg11: memref<1x128xf32, #tpu.memory_space<vmem>>, %arg12: memref<128x512xf32, #tpu.memory_space<vmem>>, %arg13: memref<1x512xf32, #tpu.memory_space<vmem>>, %arg14: memref<512x128xf32, #tpu.memory_space<vmem>>, %arg15: memref<1x128xf32, #tpu.memory_space<vmem>>, %arg16: memref<128x512xf32, #tpu.memory_space<vmem>>, %arg17: memref<1x512xf32, #tpu.memory_space<vmem>>, %arg18: memref<1000x128xf32, #tpu.memory_space<vmem>>) attributes {dimension_semantics = [#tpu.dimension_semantics<arbitrary>], iteration_bounds = array<i64: 10>, scalar_prefetch = 0 : i64, scratch_operands = 0 : i64, tpu.core_type = #tpu.core_type<tc>, window_params = [{transform_indices = @transform_0, window_bounds = array<i64: 1000, 128>}, {transform_indices = @transform_1, window_bounds = array<i64: 1000, 144>}, {pipeline_mode = #tpu.pipeline_mode<synchronous>, transform_indices = @transform_2, window_bounds = array<i64: 128, 128>}, {pipeline_mode = #tpu.pipeline_mode<synchronous>, transform_indices = @transform_3, window_bounds = array<i64: 1, 128>}, {pipeline_mode = #tpu.pipeline_mode<synchronous>, transform_indices = @transform_4, window_bounds = array<i64: 128, 128>}, {pipeline_mode = #tpu.pipeline_mode<synchronous>, transform_indices = @transform_5, window_bounds = array<i64: 1, 128>}, {pipeline_mode = #tpu.pipeline_mode<synchronous>, transform_indices = @transform_6, window_bounds = array<i64: 128, 128>}, {pipeline_mode = #tpu.pipeline_mode<synchronous>, transform_indices = @transform_7, window_bounds = array<i64: 128, 128>}, {pipeline_mode = #tpu.pipeline_mode<synchronous>, transform_indices = @transform_8, window_bounds = array<i64: 1, 128>}, {pipeline_mode = #tpu.pipeline_mode<synchronous>, transform_indices = @transform_9, window_bounds = array<i64: 1, 128>}, {pipeline_mode = #tpu.pipeline_mode<synchronous>, transform_indices = @transform_10, window_bounds = array<i64: 1, 128>}, {pipeline_mode = #tpu.pipeline_mode<synchronous>, transform_indices = @transform_11, window_bounds = array<i64: 128, 512>}, {pipeline_mode = #tpu.pipeline_mode<synchronous>, transform_indices = @transform_12, window_bounds = array<i64: 1, 512>}, {pipeline_mode = #tpu.pipeline_mode<synchronous>, transform_indices = @transform_13, window_bounds = array<i64: 512, 128>}, {pipeline_mode = #tpu.pipeline_mode<synchronous>, transform_indices = @transform_14, window_bounds = array<i64: 1, 128>}, {pipeline_mode = #tpu.pipeline_mode<synchronous>, transform_indices = @transform_15, window_bounds = array<i64: 128, 512>}, {pipeline_mode = #tpu.pipeline_mode<synchronous>, transform_indices = @transform_16, window_bounds = array<i64: 1, 512>}, {transform_indices = @transform_17, window_bounds = array<i64: 1000, 128>}]} {
    %get3A = arith.constant 0 : index
    %get3A_0 = arith.constant 0 : index
    %get3A_1 = vector.load %arg2[%get3A, %get3A_0] : memref<1000x144xf32, #tpu.memory_space<vmem>>, vector<1000x144xf32>
    %slice3A = vector.extract_strided_slice %get3A_1 {offsets = [0, 0], sizes = [1000, 128], strides = [1, 1]} : vector<1000x144xf32> to vector<1000x128xf32>
    %slice3A_2 = vector.extract_strided_slice %get3A_1 {offsets = [0, 128], sizes = [1000, 4], strides = [1, 1]} : vector<1000x144xf32> to vector<1000x4xf32>
    %add3A = arith.constant 9.99999971E-10 : f32
    %add3A_3 = vector.broadcast %add3A : f32 to vector<1000x4xf32>
    %add3A_4 = arith.addf %slice3A_2, %add3A_3 : vector<1000x4xf32>
    %div3A = arith.constant 1.000000e+00 : f32
    %div3A_5 = vector.broadcast %div3A : f32 to vector<1000x4xf32>
    %div3A_6 = arith.divf %div3A_5, %add3A_4 : vector<1000x4xf32>
    %iota3A = tpu.iota {dimensions = array<i32: 1>} : vector<4x128xi32>
    %jit3A = arith.constant 32 : i32
    %div3A_7 = vector.broadcast %jit3A : i32 to vector<4x128xi32>
    %div3A_8 = arith.divsi %iota3A, %div3A_7 : vector<4x128xi32>
    %sign3A = arith.constant 0 : i32
    %sign3A_9 = vector.broadcast %sign3A : i32 to vector<4x128xi32>
    %sign3A_10 = arith.cmpi sgt, %iota3A, %sign3A_9 : vector<4x128xi32>
    %sign3A_11 = arith.extui %sign3A_10 : vector<4x128xi1> to vector<4x128xi32>
    %sign3A_12 = arith.constant 0 : i32
    %sign3A_13 = vector.broadcast %sign3A_12 : i32 to vector<4x128xi32>
    %sign3A_14 = arith.cmpi slt, %iota3A, %sign3A_13 : vector<4x128xi32>
    %sign3A_15 = arith.extui %sign3A_14 : vector<4x128xi1> to vector<4x128xi32>
    %sign3A_16 = arith.subi %sign3A_11, %sign3A_15 : vector<4x128xi32>
    %sign3A_17 = arith.constant 0 : i32
    %sign3A_18 = arith.cmpi sgt, %jit3A, %sign3A_17 : i32
    %sign3A_19 = arith.extui %sign3A_18 : i1 to i32
    %sign3A_20 = arith.constant 0 : i32
    %sign3A_21 = arith.cmpi slt, %jit3A, %sign3A_20 : i32
    %sign3A_22 = arith.extui %sign3A_21 : i1 to i32
    %sign3A_23 = arith.subi %sign3A_19, %sign3A_22 : i32
    %ne3A = vector.broadcast %sign3A_23 : i32 to vector<4x128xi32>
    %ne3A_24 = arith.cmpi ne, %sign3A_16, %ne3A : vector<4x128xi32>
    %rem3A = vector.broadcast %jit3A : i32 to vector<4x128xi32>
    %rem3A_25 = arith.remsi %iota3A, %rem3A : vector<4x128xi32>
    %ne3A_26 = arith.constant 0 : i32
    %ne3A_27 = vector.broadcast %ne3A_26 : i32 to vector<4x128xi32>
    %ne3A_28 = arith.cmpi ne, %rem3A_25, %ne3A_27 : vector<4x128xi32>
    %and3A = arith.andi %ne3A_24, %ne3A_28 : vector<4x128xi1>
    %sub3A = arith.constant 1 : i32
    %sub3A_29 = vector.broadcast %sub3A : i32 to vector<4x128xi32>
    %sub3A_30 = arith.subi %div3A_8, %sub3A_29 : vector<4x128xi32>
    %select_n3A = arith.select %and3A, %sub3A_30, %div3A_8 : vector<4x128xi1>, vector<4x128xi32>
    %iota3A_31 = tpu.iota {dimensions = array<i32: 0>} : vector<4x128xi32>
    %eq3A = arith.cmpi eq, %select_n3A, %iota3A_31 : vector<4x128xi32>
    %convert_element_type3A = arith.extui %eq3A : vector<4x128xi1> to vector<4x128xi32>
    %convert_element_type3A_32 = arith.sitofp %convert_element_type3A : vector<4x128xi32> to vector<4x128xf32>
    %dot_general3A = arith.constant dense<0.000000e+00> : vector<1000x128xf32>
    %dot_general3A_33 = tpu.matmul %div3A_6, %convert_element_type3A_32, %dot_general3A {dimension_numbers = #tpu.dot_dimension_numbers<[1], [0], [0], [1], [0, 0, 1, 1], [], []>, transpose_lhs_hint = false} : vector<1000x4xf32>, vector<4x128xf32>, vector<1000x128xf32> -> vector<1000x128xf32>
    %mul3A = arith.mulf %slice3A, %dot_general3A_33 : vector<1000x128xf32>
    %get3A_34 = arith.constant 0 : index
    %get3A_35 = arith.constant 0 : index
    %get3A_36 = vector.load %arg3[%get3A_34, %get3A_35] : memref<128x128xf32, #tpu.memory_space<vmem>>, vector<128x128xf32>
    %dot_general3A_37 = arith.constant dense<0.000000e+00> : vector<1000x128xf32>
    %dot_general3A_38 = tpu.matmul %mul3A, %get3A_36, %dot_general3A_37 {dimension_numbers = #tpu.dot_dimension_numbers<[1], [0], [0], [1], [0, 0, 1, 1], [], []>, transpose_lhs_hint = false} : vector<1000x128xf32>, vector<128x128xf32>, vector<1000x128xf32> -> vector<1000x128xf32>
    %get3A_39 = arith.constant 0 : index
    %get3A_40 = arith.constant 0 : index
    %get3A_41 = vector.load %arg4[%get3A_39, %get3A_40] : memref<1x128xf32, #tpu.memory_space<vmem>>, vector<1x128xf32>
    %add3A_42 = vector.broadcast %get3A_41 : vector<1x128xf32> to vector<1000x128xf32>
    %add3A_43 = arith.addf %dot_general3A_38, %add3A_42 : vector<1000x128xf32>
    %max3A = arith.constant 0.000000e+00 : f32
    %max3A_44 = vector.broadcast %max3A : f32 to vector<1000x128xf32>
    %max3A_45 = arith.maximumf %add3A_43, %max3A_44 : vector<1000x128xf32>
    %get3A_46 = arith.constant 0 : index
    %get3A_47 = arith.constant 0 : index
    %get3A_48 = vector.load %arg1[%get3A_46, %get3A_47] : memref<1000x128xf32, #tpu.memory_space<vmem>>, vector<1000x128xf32>
    %get3A_49 = arith.constant 0 : index
    %get3A_50 = arith.constant 0 : index
    %get3A_51 = vector.load %arg5[%get3A_49, %get3A_50] : memref<128x128xf32, #tpu.memory_space<vmem>>, vector<128x128xf32>
    %dot_general3A_52 = arith.constant dense<0.000000e+00> : vector<1000x128xf32>
    %dot_general3A_53 = tpu.matmul %get3A_48, %get3A_51, %dot_general3A_52 {dimension_numbers = #tpu.dot_dimension_numbers<[1], [0], [0], [1], [0, 0, 1, 1], [], []>, transpose_lhs_hint = false} : vector<1000x128xf32>, vector<128x128xf32>, vector<1000x128xf32> -> vector<1000x128xf32>
    %get3A_54 = arith.constant 0 : index
    %get3A_55 = arith.constant 0 : index
    %get3A_56 = vector.load %arg6[%get3A_54, %get3A_55] : memref<1x128xf32, #tpu.memory_space<vmem>>, vector<1x128xf32>
    %add3A_57 = vector.broadcast %get3A_56 : vector<1x128xf32> to vector<1000x128xf32>
    %add3A_58 = arith.addf %dot_general3A_53, %add3A_57 : vector<1000x128xf32>
    %max3A_59 = arith.constant 0.000000e+00 : f32
    %max3A_60 = vector.broadcast %max3A_59 : f32 to vector<1000x128xf32>
    %max3A_61 = arith.maximumf %add3A_58, %max3A_60 : vector<1000x128xf32>
    %get3A_62 = arith.constant 0 : index
    %get3A_63 = arith.constant 0 : index
    %get3A_64 = vector.load %arg7[%get3A_62, %get3A_63] : memref<128x128xf32, #tpu.memory_space<vmem>>, vector<128x128xf32>
    %dot_general3A_65 = arith.constant dense<0.000000e+00> : vector<1000x128xf32>
    %dot_general3A_66 = tpu.matmul %max3A_45, %get3A_64, %dot_general3A_65 {dimension_numbers = #tpu.dot_dimension_numbers<[1], [0], [0], [1], [0, 0, 1, 1], [], []>, transpose_lhs_hint = false} : vector<1000x128xf32>, vector<128x128xf32>, vector<1000x128xf32> -> vector<1000x128xf32>
    %get3A_67 = arith.constant 0 : index
    %get3A_68 = arith.constant 0 : index
    %get3A_69 = vector.load %arg8[%get3A_67, %get3A_68] : memref<128x128xf32, #tpu.memory_space<vmem>>, vector<128x128xf32>
    %dot_general3A_70 = arith.constant dense<0.000000e+00> : vector<1000x128xf32>
    %dot_general3A_71 = tpu.matmul %max3A_61, %get3A_69, %dot_general3A_70 {dimension_numbers = #tpu.dot_dimension_numbers<[1], [0], [0], [1], [0, 0, 1, 1], [], []>, transpose_lhs_hint = false} : vector<1000x128xf32>, vector<128x128xf32>, vector<1000x128xf32> -> vector<1000x128xf32>
    %add3A_72 = arith.addf %dot_general3A_66, %dot_general3A_71 : vector<1000x128xf32>
    %get3A_73 = arith.constant 0 : index
    %get3A_74 = arith.constant 0 : index
    %get3A_75 = vector.load %arg9[%get3A_73, %get3A_74] : memref<1x128xf32, #tpu.memory_space<vmem>>, vector<1x128xf32>
    %add3A_76 = vector.broadcast %get3A_75 : vector<1x128xf32> to vector<1000x128xf32>
    %add3A_77 = arith.addf %add3A_72, %add3A_76 : vector<1000x128xf32>
    %reduce_sum3A = arith.constant dense<0.000000e+00> : vector<1000xf32>
    %reduce_sum3A_78 = vector.multi_reduction <add>, %add3A_77, %reduce_sum3A [1] : vector<1000x128xf32> to vector<1000xf32>
    %broadcast_in_dim3A = vector.shape_cast %reduce_sum3A_78 : vector<1000xf32> to vector<1000x1xf32>
    %div3A_79 = arith.constant 1.280000e+02 : f32
    %div3A_80 = vector.broadcast %div3A_79 : f32 to vector<1000x1xf32>
    %div3A_81 = arith.divf %broadcast_in_dim3A, %div3A_80 : vector<1000x1xf32>
    %sub3A_82 = vector.broadcast %div3A_81 : vector<1000x1xf32> to vector<1000x128xf32>
    %sub3A_83 = arith.subf %add3A_77, %sub3A_82 : vector<1000x128xf32>
    %integer_pow3A = arith.mulf %sub3A_83, %sub3A_83 : vector<1000x128xf32>
    %reduce_sum3A_84 = arith.constant dense<0.000000e+00> : vector<1000xf32>
    %reduce_sum3A_85 = vector.multi_reduction <add>, %integer_pow3A, %reduce_sum3A_84 [1] : vector<1000x128xf32> to vector<1000xf32>
    %broadcast_in_dim3A_86 = vector.shape_cast %reduce_sum3A_85 : vector<1000xf32> to vector<1000x1xf32>
    %div3A_87 = arith.constant 1.280000e+02 : f32
    %div3A_88 = vector.broadcast %div3A_87 : f32 to vector<1000x1xf32>
    %div3A_89 = arith.divf %broadcast_in_dim3A_86, %div3A_88 : vector<1000x1xf32>
    %sub3A_90 = vector.broadcast %div3A_81 : vector<1000x1xf32> to vector<1000x128xf32>
    %sub3A_91 = arith.subf %add3A_77, %sub3A_90 : vector<1000x128xf32>
    %add3A_92 = arith.constant 9.99999974E-6 : f32
    %add3A_93 = vector.broadcast %add3A_92 : f32 to vector<1000x1xf32>
    %add3A_94 = arith.addf %div3A_89, %add3A_93 : vector<1000x1xf32>
    %rsqrt3A = math.rsqrt %add3A_94 : vector<1000x1xf32>
    %mul3A_95 = vector.broadcast %rsqrt3A : vector<1000x1xf32> to vector<1000x128xf32>
    %mul3A_96 = arith.mulf %sub3A_91, %mul3A_95 : vector<1000x128xf32>
    %get3A_97 = arith.constant 0 : index
    %get3A_98 = arith.constant 0 : index
    %get3A_99 = vector.load %arg10[%get3A_97, %get3A_98] : memref<1x128xf32, #tpu.memory_space<vmem>>, vector<1x128xf32>
    %mul3A_100 = vector.broadcast %get3A_99 : vector<1x128xf32> to vector<1000x128xf32>
    %mul3A_101 = arith.mulf %mul3A_96, %mul3A_100 : vector<1000x128xf32>
    %get3A_102 = arith.constant 0 : index
    %get3A_103 = arith.constant 0 : index
    %get3A_104 = vector.load %arg11[%get3A_102, %get3A_103] : memref<1x128xf32, #tpu.memory_space<vmem>>, vector<1x128xf32>
    %add3A_105 = vector.broadcast %get3A_104 : vector<1x128xf32> to vector<1000x128xf32>
    %add3A_106 = arith.addf %mul3A_101, %add3A_105 : vector<1000x128xf32>
    %get3A_107 = arith.constant 0 : index
    %get3A_108 = arith.constant 0 : index
    %get3A_109 = vector.load %arg12[%get3A_107, %get3A_108] : memref<128x512xf32, #tpu.memory_space<vmem>>, vector<128x512xf32>
    %dot_general3A_110 = arith.constant dense<0.000000e+00> : vector<1000x512xf32>
    %dot_general3A_111 = tpu.matmul %add3A_106, %get3A_109, %dot_general3A_110 {dimension_numbers = #tpu.dot_dimension_numbers<[1], [0], [0], [1], [0, 0, 1, 1], [], []>, transpose_lhs_hint = false} : vector<1000x128xf32>, vector<128x512xf32>, vector<1000x512xf32> -> vector<1000x512xf32>
    %get3A_112 = arith.constant 0 : index
    %get3A_113 = arith.constant 0 : index
    %get3A_114 = vector.load %arg13[%get3A_112, %get3A_113] : memref<1x512xf32, #tpu.memory_space<vmem>>, vector<1x512xf32>
    %add3A_115 = vector.broadcast %get3A_114 : vector<1x512xf32> to vector<1000x512xf32>
    %add3A_116 = arith.addf %dot_general3A_111, %add3A_115 : vector<1000x512xf32>
    %get3A_117 = arith.constant 0 : index
    %get3A_118 = arith.constant 0 : index
    %get3A_119 = vector.load %arg16[%get3A_117, %get3A_118] : memref<128x512xf32, #tpu.memory_space<vmem>>, vector<128x512xf32>
    %dot_general3A_120 = arith.constant dense<0.000000e+00> : vector<1000x512xf32>
    %dot_general3A_121 = tpu.matmul %add3A_106, %get3A_119, %dot_general3A_120 {dimension_numbers = #tpu.dot_dimension_numbers<[1], [0], [0], [1], [0, 0, 1, 1], [], []>, transpose_lhs_hint = false} : vector<1000x128xf32>, vector<128x512xf32>, vector<1000x512xf32> -> vector<1000x512xf32>
    %get3A_122 = arith.constant 0 : index
    %get3A_123 = arith.constant 0 : index
    %get3A_124 = vector.load %arg17[%get3A_122, %get3A_123] : memref<1x512xf32, #tpu.memory_space<vmem>>, vector<1x512xf32>
    %add3A_125 = vector.broadcast %get3A_124 : vector<1x512xf32> to vector<1000x512xf32>
    %add3A_126 = arith.addf %dot_general3A_121, %add3A_125 : vector<1000x512xf32>
    %logistic3A = arith.negf %add3A_116 : vector<1000x512xf32>
    %logistic3A_127 = math.exp %logistic3A : vector<1000x512xf32>
    %logistic3A_128 = arith.constant 1.000000e+00 : f32
    %logistic3A_129 = vector.broadcast %logistic3A_128 : f32 to vector<1000x512xf32>
    %logistic3A_130 = arith.addf %logistic3A_129, %logistic3A_127 : vector<1000x512xf32>
    %logistic3A_131 = arith.divf %logistic3A_129, %logistic3A_130 : vector<1000x512xf32>
    %mul3A_132 = arith.mulf %add3A_116, %logistic3A_131 : vector<1000x512xf32>
    %mul3A_133 = arith.mulf %mul3A_132, %add3A_126 : vector<1000x512xf32>
    %get3A_134 = arith.constant 0 : index
    %get3A_135 = arith.constant 0 : index
    %get3A_136 = vector.load %arg14[%get3A_134, %get3A_135] : memref<512x128xf32, #tpu.memory_space<vmem>>, vector<512x128xf32>
    %dot_general3A_137 = arith.constant dense<0.000000e+00> : vector<1000x128xf32>
    %dot_general3A_138 = tpu.matmul %mul3A_133, %get3A_136, %dot_general3A_137 {dimension_numbers = #tpu.dot_dimension_numbers<[1], [0], [0], [1], [0, 0, 1, 1], [], []>, transpose_lhs_hint = false} : vector<1000x512xf32>, vector<512x128xf32>, vector<1000x128xf32> -> vector<1000x128xf32>
    %get3A_139 = arith.constant 0 : index
    %get3A_140 = arith.constant 0 : index
    %get3A_141 = vector.load %arg15[%get3A_139, %get3A_140] : memref<1x128xf32, #tpu.memory_space<vmem>>, vector<1x128xf32>
    %add3A_142 = vector.broadcast %get3A_141 : vector<1x128xf32> to vector<1000x128xf32>
    %add3A_143 = arith.addf %dot_general3A_138, %add3A_142 : vector<1000x128xf32>
    %add3A_144 = arith.addf %add3A_143, %add3A_77 : vector<1000x128xf32>
    %swap3A = arith.constant 0 : index
    %swap3A_145 = arith.constant 0 : index
    %swap3A_146 = vector.load %arg18[%swap3A, %swap3A_145] : memref<1000x128xf32, #tpu.memory_space<vmem>>, vector<1000x128xf32>
    tpu.vector_store %arg18[%swap3A, %swap3A_145], %add3A_144 {strides = array<i32>} : memref<1000x128xf32, #tpu.memory_space<vmem>>, vector<1000x128xf32>,
    return
  }
  func.func @transform_0(%arg0: i32) -> (i32, i32) {
    %c0_i32 = arith.constant 0 : i32
    %c0_i32_0 = arith.constant 0 : i32
    return %arg0, %c0_i32 : i32, i32
  }
  func.func @transform_1(%arg0: i32) -> (i32, i32) {
    %c0_i32 = arith.constant 0 : i32
    %c0_i32_0 = arith.constant 0 : i32
    return %arg0, %c0_i32 : i32, i32
  }
  func.func @transform_2(%arg0: i32) -> (i32, i32) {
    %c0_i32 = arith.constant 0 : i32
    %c0_i32_0 = arith.constant 0 : i32
    %c0_i32_1 = arith.constant 0 : i32
    return %c0_i32, %c0_i32_0 : i32, i32
  }
  func.func @transform_3(%arg0: i32) -> (i32, i32) {
    %c0_i32 = arith.constant 0 : i32
    %c0_i32_0 = arith.constant 0 : i32
    %c0_i32_1 = arith.constant 0 : i32
    return %c0_i32, %c0_i32_0 : i32, i32
  }
  func.func @transform_4(%arg0: i32) -> (i32, i32) {
    %c0_i32 = arith.constant 0 : i32
    %c0_i32_0 = arith.constant 0 : i32
    %c0_i32_1 = arith.constant 0 : i32
    return %c0_i32, %c0_i32_0 : i32, i32
  }
  func.func @transform_5(%arg0: i32) -> (i32, i32) {
    %c0_i32 = arith.constant 0 : i32
    %c0_i32_0 = arith.constant 0 : i32
    %c0_i32_1 = arith.constant 0 : i32
    return %c0_i32, %c0_i32_0 : i32, i32
  }
  func.func @transform_6(%arg0: i32) -> (i32, i32) {
    %c0_i32 = arith.constant 0 : i32
    %c0_i32_0 = arith.constant 0 : i32
    %c0_i32_1 = arith.constant 0 : i32
    return %c0_i32, %c0_i32_0 : i32, i32
  }
  func.func @transform_7(%arg0: i32) -> (i32, i32) {
    %c0_i32 = arith.constant 0 : i32
    %c0_i32_0 = arith.constant 0 : i32
    %c0_i32_1 = arith.constant 0 : i32
    return %c0_i32, %c0_i32_0 : i32, i32
  }
  func.func @transform_8(%arg0: i32) -> (i32, i32) {
    %c0_i32 = arith.constant 0 : i32
    %c0_i32_0 = arith.constant 0 : i32
    %c0_i32_1 = arith.constant 0 : i32
    return %c0_i32, %c0_i32_0 : i32, i32
  }
  func.func @transform_9(%arg0: i32) -> (i32, i32) {
    %c0_i32 = arith.constant 0 : i32
    %c0_i32_0 = arith.constant 0 : i32
    %c0_i32_1 = arith.constant 0 : i32
    return %c0_i32, %c0_i32_0 : i32, i32
  }
  func.func @transform_10(%arg0: i32) -> (i32, i32) {
    %c0_i32 = arith.constant 0 : i32
    %c0_i32_0 = arith.constant 0 : i32
    %c0_i32_1 = arith.constant 0 : i32
    return %c0_i32, %c0_i32_0 : i32, i32
  }
  func.func @transform_11(%arg0: i32) -> (i32, i32) {
    %c0_i32 = arith.constant 0 : i32
    %c0_i32_0 = arith.constant 0 : i32
    %c0_i32_1 = arith.constant 0 : i32
    return %c0_i32, %c0_i32_0 : i32, i32
  }
  func.func @transform_12(%arg0: i32) -> (i32, i32) {
    %c0_i32 = arith.constant 0 : i32
    %c0_i32_0 = arith.constant 0 : i32
    %c0_i32_1 = arith.constant 0 : i32
    return %c0_i32, %c0_i32_0 : i32, i32
  }
  func.func @transform_13(%arg0: i32) -> (i32, i32) {
    %c0_i32 = arith.constant 0 : i32
    %c0_i32_0 = arith.constant 0 : i32
    %c0_i32_1 = arith.constant 0 : i32
    return %c0_i32, %c0_i32_0 : i32, i32
  }
  func.func @transform_14(%arg0: i32) -> (i32, i32) {
    %c0_i32 = arith.constant 0 : i32
    %c0_i32_0 = arith.constant 0 : i32
    %c0_i32_1 = arith.constant 0 : i32
    return %c0_i32, %c0_i32_0 : i32, i32
  }
  func.func @transform_15(%arg0: i32) -> (i32, i32) {
    %c0_i32 = arith.constant 0 : i32
    %c0_i32_0 = arith.constant 0 : i32
    %c0_i32_1 = arith.constant 0 : i32
    return %c0_i32, %c0_i32_0 : i32, i32
  }
  func.func @transform_16(%arg0: i32) -> (i32, i32) {
    %c0_i32 = arith.constant 0 : i32
    %c0_i32_0 = arith.constant 0 : i32
    %c0_i32_1 = arith.constant 0 : i32
    return %c0_i32, %c0_i32_0 : i32, i32
  }
  func.func @transform_17(%arg0: i32) -> (i32, i32) {
    %c0_i32 = arith.constant 0 : i32
    %c0_i32_0 = arith.constant 0 : i32
    return %arg0, %c0_i32 : i32, i32
  }
}

</mosaic_0001>

<sc_bundles>
// kernel: kernel.8.cloned.1.call-start
scs
__scs_entry_jumppad:
0x0: {  	(pc) =	sbr.rel $0x88, $3  }
0x1: {  	(tag) =	ssettag $0x0;
	lr =	simm.s32 $0x1  }
0x2: {  	[smem:$0x3F84] =	sst lr;
	_ =	strace $0xD0000000  }
0x3: {  	_ = 	snop  }
0x4: {  	_ = 	snop  }
0x5: {  	_ = 	snop  }
0x6: {  	_ = 	snop  }
0x7: {  	_ = 	snop  }
__scs_overlays_trampoline_lowered:
0x8: {  	[smem:$0x3F93] =	sst s0  }
0x9: {  	[smem:$0x3F94] =	sst s1  }
0xa: {  	[smem:$0x3F95] =	sst s2  }
0xb: {  	[smem:$0x3F96] =	sst s3  }
0xc: {  	[smem:$0x3F97] =	sst s4  }
0xd: {  	[smem:$0x3F98] =	sst s5  }
0xe: {  	[smem:$0x3F99] =	sst s6  }
0xf: {  	[smem:$0x3F9A] =	sst s7  }
0x10: {  	[smem:$0x3F9B] =	sst s8  }
0x11: {  	[smem:$0x3F9C] =	sst s9;
	s0 =	simm.s32 @!p0 $0x0  }
0x12: {  	s1 =	sld [smem:$0x3F82];
	s0 =	simm.s32 @p0 $0x1  }
0x13: {  	[smem:$0x3F9D] =	sst s0;
	s0 =	simm.s32 @!p1 $0x0  }
0x14: {  	s2 =	sld [smem:$0x3F81];
	s0 =	simm.s32 @p1 $0x1  }
0x15: {  	[smem:$0x3F9E] =	sst s0;
	s0 =	simm.s32 @!p2 $0x0  }
0x16: {  	s3 =	sld [smem:$0x3FDB];
	s0 =	simm.s32 @p2 $0x1  }
0x17: {  	s4 =	simm.s32 $0x1BF5;
	[smem:$0x3FA0] =	sst s0  }
0x18: {  	s0 =	sld [smem:$0x3F83];
	_ =	swait.ge [sflag:s4], $0x0  }
0x19: {  	s7 =	sld [smem:$0x3F84]  }
0x1a: {  	s8 =	sadd.s32 $0xFFFFE003, lr  }
0x1b: {  	s9 =	sadd.s32 $0xFFFFFEF7, lr;
	s5 =	simm.s32 $0xFFFFFFFF;
	p2 =	slt.u32 s8, $0xFFFFF086  }
0x1c: {  	p1 =	slt.u32 s9, $0xF7A;
	s5 =	simm.s32 @!p2 $0x0  }
0x1d: {  	s5 =	simm.s32 @p1 $0x1;
	p0 =	seq.s32 s7, s2  }
0x1e: {  	s7 =	smul.u32 @!p0 $0xF7A, s2;
	p2 =	seq.s32 @!p0 s5, $0x0  }
0x1f: {  	s9 =	smul.u32 $0xF7A, s1;
	s8 =	simm.s32 @!p0 $0x1BF5;
	p2 =	por !p2, p0  }
0x20: {  	[sflag:s8] =	ssyncset.s32 @!p0 $0xFFFFF086;
	s6 =	sadd.s32 @!p0 s3, s7;
	s7 =	simm.s32 @!p0 $0x108  }
0x21: {  	s3 =	sadd.s32 s3, s9;
	s6 =	sadd.s32 @!p0 $0x88, s6;
	s7 =	simm.s32 @p2 $0x1082  }
0x22: {  	[simem:s7], [sflag:s8] =	dma.local @!p0 [hbm:s6], $0xF7A  }
0x23: {  	s9 =	sor.u32 $0xD0000000, s2;
	s6 =	simm.s32 $0x108;
	_ =	swait.ge @!p0 [sflag:s8], $0x0  }
0x24: {  	s3 =	sadd.s32 $0x88, s3;
	s6 =	simm.s32 @!p1 $0x1082;
	[sflag:s4] =	ssyncset.s32 $0xFFFFF086  }
0x25: {  	[simem:s6], [sflag:s4] =	dma.local [hbm:s3], $0xF7A  }
0x26: {  	[smem:$0x3F84] =	sst s1;
	(tag) =	ssettag s2;
	_ =	strace s9  }
0x27: {  	s1 =	sld [smem:$0x3F94]  }
0x28: {  	s2 =	sld [smem:$0x3F95]  }
0x29: {  	s4 =	sld [smem:$0x3F97]  }
0x2a: {  	p0 =	seq.s32 s5, $0x0;
	s5 =	sld [smem:$0x3F98]  }
0x2b: {  	s6 =	sld [smem:$0x3F99]  }
0x2c: {  	s7 =	sld [smem:$0x3F9A]  }
0x2d: {  	s3 =	simm.s32 $0x108;
	s8 =	sld [smem:$0x3F9B]  }
0x2e: {  	s3 =	simm.s32 @!p0 $0x1082;
	s9 =	sld [smem:$0x3F9C]  }
0x2f: {  	lr =	sadd.s32 s0, s3;
	s0 =	sld [smem:$0x3F93]  }
0x30: {  	s3 =	sld [smem:$0x3F96]  }
0x31: {  	[smem:$0x3F9F] =	sst s10  }
0x32: {  	s10 =	sld [smem:$0x3F9D];
	_ =	sdelay $0x3  }
0x33: {  	p0 =	seq.s32 s10, $0x1;
	s10 =	sld [smem:$0x3F9F];
	_ =	sdelay $0x3  }
0x34: {  	[smem:$0x3F9F] =	sst s10  }
0x35: {  	s10 =	sld [smem:$0x3F9E];
	_ =	sdelay $0x3  }
0x36: {  	p1 =	seq.s32 s10, $0x1;
	s10 =	sld [smem:$0x3F9F];
	_ =	sdelay $0x3  }
0x37: {  	[smem:$0x3F9F] =	sst s10  }
0x38: {  	s10 =	sld [smem:$0x3FA0]  }
0x39: {  	_ = 	snop;
	(pc) =	sbr.ind lr, $3  }
0x3a: {  	_ = 	snop  }
0x3b: {  	_ = 	snop  }
0x3c: {  	p2 =	seq.s32 s10, $0x1;
	s10 =	sld [smem:$0x3F9F]  }
0x3d: {  	_ =	shalt  }
0x3e: {  	_ =	shalt  }
0x3f: {  	_ =	shalt  }
0x40: {  	_ =	shalt  }
0x41: {  	_ =	shalt  }
0x42: {  	_ =	shalt  }
0x43: {  	_ =	shalt  }
0x44: {  	_ =	shalt  }
0x45: {  	_ =	shalt  }
0x46: {  	_ =	shalt  }
0x47: {  	_ =	shalt  }
0x48: {  	_ =	shalt  }
0x49: {  	_ =	shalt  }
0x4a: {  	_ =	shalt  }
0x4b: {  	_ =	shalt  }
0x4c: {  	_ =	shalt  }
0x4d: {  	_ =	shalt  }
0x4e: {  	_ =	shalt  }
0x4f: {  	_ =	shalt  }
0x50: {  	_ =	shalt  }
0x51: {  	_ =	shalt  }
0x52: {  	_ =	shalt  }
0x53: {  	_ =	shalt  }
0x54: {  	_ =	shalt  }
0x55: {  	_ =	shalt  }
0x56: {  	_ =	shalt  }
0x57: {  	_ =	shalt  }
0x58: {  	_ =	shalt  }
0x59: {  	_ =	shalt  }
0x5a: {  	_ =	shalt  }
0x5b: {  	_ =	shalt  }
0x5c: {  	_ =	shalt  }
0x5d: {  	_ =	shalt  }
0x5e: {  	_ =	shalt  }
0x5f: {  	_ =	shalt  }
0x60: {  	_ =	shalt  }
0x61: {  	_ =	shalt  }
0x62: {  	_ =	shalt  }
0x63: {  	_ =	shalt  }
0x64: {  	_ =	shalt  }
0x65: {  	_ =	shalt  }
0x66: {  	_ =	shalt  }
0x67: {  	_ =	shalt  }
0x68: {  	_ =	shalt  }
0x69: {  	_ =	shalt  }
0x6a: {  	_ =	shalt  }
0x6b: {  	_ =	shalt  }
0x6c: {  	_ =	shalt  }
0x6d: {  	_ =	shalt  }
0x6e: {  	_ =	shalt  }
0x6f: {  	_ =	shalt  }
0x70: {  	_ =	shalt  }
0x71: {  	_ =	shalt  }
0x72: {  	_ =	shalt  }
0x73: {  	_ =	shalt  }
0x74: {  	_ =	shalt  }
0x75: {  	_ =	shalt  }
0x76: {  	_ =	shalt  }
0x77: {  	_ =	shalt  }
0x78: {  	_ =	shalt  }
0x79: {  	_ =	shalt  }
0x7a: {  	_ =	shalt  }
0x7b: {  	_ =	shalt  }
0x7c: {  	_ =	shalt  }
0x7d: {  	_ =	shalt  }
0x7e: {  	_ =	shalt  }
0x7f: {  	_ =	shalt  }
0x80: {  	_ =	shalt  }
0x81: {  	_ =	shalt  }
0x82: {  	_ =	shalt  }
0x83: {  	_ =	shalt  }
0x84: {  	_ =	shalt  }
0x85: {  	_ =	shalt  }
0x86: {  	_ =	shalt  }
0x87: {  	_ =	shalt  }
.Lfunc_end0:
.L_simem_size_0:
called_computation_lowered:
.L_overlay_start_0:
0x88: {  	s2 =	sld [smem:$0x3FD9]  }
0x89: {  	s3 =	sld [smem:$0x3FFE];
	_ =	sdelay $0x1  }
0x8a: {  	s1 =	srdreg.scid  }
0x8b: {  	s0 =	sand.u32 $0x1, s1  }
0x8c: {  	s17 =	sshll.u32 s0, $0xA;
	s2 =	sadd.s32 s3, s2  }
0x8d: {  	s2 =	sadd.s32 s2, s17  }
0x8e: {  	[smem:$0x3FAB] =	sst s2  }
0x8f: {  	_ = 	snop  }
0x90: {  	s2 =	sld [smem:$0x3FC9]  }
0x91: {  	s18 =	sld [smem:$0x3FD0];
	(tm) =	ssettm $0x1  }
0x92: {  	s4 =	sld [smem:$0x3FFB];
	_ =	sdelay $0x3  }
0x93: {  	_ =	strace s4  }
0x94: {  	s4 =	sld [smem:$0x3FFC];
	_ =	sdelay $0x3  }
0x95: {  	_ =	strace s4  }
0x96: {  	s4 =	sld [smem:$0x3FFD];
	_ =	sdelay $0x3  }
0x97: {  	_ =	strace s4  }
0x98: {  	_ =	strace $0x8FFFFFFF  }
0x99: {  	s19 =	sld [smem:$0x3FDB];
	_ =	sdelay $0x1  }
0x9a: {  	s5 =	simm.s32 $_scs_section_size  }
0x9b: {  	s6 =	simm.s32 $_size__tile_overlayer_lowered;
	s7 =	simm.s32 $_tile_overlayer_lowered  }
0x9c: {  	s22 =	simm.s32 $0x1BFF;
	s21 =	sshll.u32 s7, $0x1;
	s4 =	sadd.s32 s5, s19  }
0x9d: {  	s8 =	simm.s32 $0x0;
	s20 =	sshll.u32 s6, $0x1;
	s6 =	sadd.s32 s21, s4  }
0x9e: {  	[timem:s8], [sflag:s22] =	dma.local [hbm:s6], s20  }
0x9f: {  	_ =	swait.ge [sflag:s22], s20  }
0xa0: {  	s5 =	ssub.s32 $0x0, s20;
	[sflag:s22] =	ssyncset.done $0x0  }
0xa1: {  	[sflag:s22] =	ssyncadd.s32 s5;
	_ =	sdelay $0x1  }
0xa2: {  	s23 =	simm.s32 $0x1B8B  }
0xa3: {  	_ =	swait.ge [sflag:s23], $0x1  }
0xa4: {  	[sflag:s23] =	ssyncset.done $0x0  }
0xa5: {  	s25 =	simm.s32 $0x1B8E;
	s24 =	sld [smem:$0x3FFE];
	[sflag:s23] =	ssyncadd.s32 $0xFFFFFFFF  }
0xa6: {  	s26 =	simm.s32 $execute0_lowered;
	[smem:$0x3FD2] =	sst s25  }
0xa7: {  	s6 =	sshll.u32 s26, $0x1;
	_ =	strace $0x80000046;
	[dreg:$0x1] =	wrdreg $0xFFFFFFFF  }
0xa8: {  	s28 =	simm.s32 $_size_execute0_lowered;
	s4 =	sadd.s32 s4, s6;
	[dreg:$0x0] =	wrdreg $0x0  }
0xa9: {  	s6 =	sshll.u32 s28, $0x1;
	[dreg:$0x2] =	wrdreg s4  }
0xaa: {  	[dreg:$0x3] =	wrdreg s6  }
0xab: {  	[dreg:$0x4] =	wrdreg $0xC0  }
0xac: {  	_ =	task [dreg:s8], $0x5FFFF  }
0xad: {  	[dreg:$0x1] =	wrdreg $0xFFFFFFFF  }
0xae: {  	[dreg:$0x0] =	wrdreg $0x60  }
0xaf: {  	[dreg:$0x2] =	wrdreg s2  }
0xb0: {  	[dreg:$0x3] =	wrdreg s18  }
0xb1: {  	[dreg:$0x4] =	wrdreg s24  }
0xb2: {  	[dreg:$0x5] =	wrdreg $0x9  }
0xb3: {  	_ =	task.clear_ibuf [dreg:s8], $0x6FFFF;
	_ =	strace $0x90000046  }
0xb4: {  	s29 =	simm.s32 $0x9;
	_ =	strace $0x80000048  }
0xb5: {  	_ =	swait.ge [sflag:s29], $0x1  }
0xb6: {  	[sflag:s29] =	ssyncadd.s32 $0xFFFFFFFF  }
0xb7: {  	_ =	strace $0x90000048  }
0xb8: {  	_ =	sfence  }
0xb9: {  	s30 =	sld [smem:$0x0];
	_ =	sdelay $0x2  }
0xba: {  	s31 =	sshll.u32 s1, $0xD;
	s1 =	sshrl.u32 s1, $0x2  }
0xbb: {  	s3 =	sand.u32 $0x4000, s31;
	s1 =	sadd.s32 s1, s30  }
0xbc: {  	s0 =	sor.u32 s3, s0;
	s1 =	sshll.u32 s1, $0x11  }
0xbd: {  	s0 =	sor.u32 s1, s0  }
0xbe: {  	s0 =	sadd.s32 $0x8F2B, s0  }
0xbf: {  	[sflag:s0] =	ssyncadd.remote.s32 $0x1  }
0xc0: {  	_ =	sfence.sel $0xFFFF  }
0xc1: {  	[dreg:$0x0] =	wrdreg $0xFFFFFFFF;
	(pc) =	sbr.abs _section_cstart, $3  }
0xc2: {  	[dreg:$0x1] =	wrdreg $0xFFFFFFFF  }
0xc3: {  	_ =	task.clear_ibuf [dreg:s8], $0x2FFFF;
	_ =	strace $0x9FFFFFFF  }
0xc4: {  	(tm) =	ssettm $0x7FFFFFFF  }
0xc5: {  	_ =	shalt  }
tec
execute0_lowered:
.L_overlay_start_1:
0x0: {  	(tag) =	ssettag $0x1  }
0x1: {  	s1 =	rddreg [dreg:$0x0]  }
0x2: {  	s2 =	rddreg [dreg:$0x1]  }
0x3: {  	s5 =	rddreg [dreg:$0x2]  }
0x4: {  	s4 =	srdreg.scid;
	s0 =	rddreg [dreg:$0x3]  }
0x5: {  	s3 =	simm.s32 $0x0;
	s12 =	simm.s32 $0x80;
	s13 =	simm.s32 $0x50  }
0x6: {  	s14 =	simm.s32 $0x100;
	s15 =	simm.s32 $0x2900;
	s16 =	simm.s32 $0x5100  }
0x7: {  	s17 =	simm.s32 $0x1;
	s18 =	simm.s32 $0x0;
	s6 =	sand.u32 $0x1, s4  }
0x8: {  	[smem:$0x7FF] =	sst s3;
	s4 =	sshll.u32 s6, $0xF;
	s8 =	smul.u32 $0x271000, s6  }
0x9: {  	s6 =	ssub.s32 $0x2, s6;
	s7 =	sadd.s32 s4, s5;
	s4 =	stileid.u32  }
0xa: {  	_ =	strace $0x80000047;
	s9 =	sshrl.u32 s6, $0x1;
	s11 =	smul.u32 $0x27100, s4  }
0xb: {  	s10 =	sshll.u32 s4, $0xB;
	s8 =	sadd.s32 s8, s5;
	s30 =	ssub.s32 s6, s9  }
0xc: {  	s7 =	sadd.s32 s10, s7;
	s5 =	smax.u32 s30, $0x1;
	s31 =	sadd.s32 s11, s8  }
0xd: {  	s6 =	sadd.s32 $0xEC00, s7;
	s7 =	sadd.s32 $0x1EC00, s7;
	s8 =	sadd.s32 $0x2EC00, s31  }
0xe: {  	s11 =	simm.s32 $0x2;
	s9 =	sadd.s32 $0x510C00, s31;
	s10 =	sadd.s32 $0x9F2C00, s31  }
.LBB2_1:
0xf: {  	[tilespmem:s3], [sflag:$0x2] =	stream.linear.gather [hbm4b:s6+s3], $0x80, $0x38;
	[tilespmem:$0x7900] =	vst v63  }
0x10: {  	_ =	swait.ge [sflag:s11], $0x80  }
0x11: {  	[sflag:s11] =	ssyncset.done $0x0  }
0x12: {  	[sflag:s11] =	ssyncadd.s32 $0xFFFFFF80  }
0x13: {  	[tilespmem:s12], [sflag:$0x2] =	stream.linear.gather [hbm4b:s7+s3], $0x80, $0x38;
	[tilespmem:$0x7900] =	vst v63  }
0x14: {  	_ =	swait.ge [sflag:s11], $0x80  }
0x15: {  	[sflag:s11] =	ssyncset.done $0x0  }
0x16: {  	[sflag:s11] =	ssyncadd.s32 $0xFFFFFF80  }
0x17: {  	[tilespmem:s14], [sflag:$0x1] =	stream.indirect.gather [hbm4b:s1+s13], $0x80, s3, s13, $0xb8;
	[tilespmem:$0x7900] =	vst v63  }
0x18: {  	_ = 	snop  }
0x19: {  	[tilespmem:s15], [sflag:$0x1] =	stream.indirect.gather [hbm4b:s1+s13], $0x80, s12, s13, $0xb8;
	[tilespmem:$0x7900] =	vst v63  }
0x1a: {  	_ = 	snop  }
0x1b: {  	[tilespmem:s16], [sflag:$0x1] =	stream.indirect.gather [hbm4b:s2+s13], $0x80, s12, s13, $0xb8;
	[tilespmem:$0x7900] =	vst v63  }
0x1c: {  	_ =	swait.ge [sflag:s17], $0x2800  }
0x1d: {  	[sflag:s17] =	ssyncset.done $0x0  }
0x1e: {  	[sflag:s17] =	ssyncadd.s32 $0xFFFFD800  }
0x1f: {  	_ =	swait.ge [sflag:s17], $0x2800  }
0x20: {  	[sflag:s17] =	ssyncset.done $0x0  }
0x21: {  	[sflag:s17] =	ssyncadd.s32 $0xFFFFD800  }
0x22: {  	_ =	swait.ge [sflag:s17], $0x2800  }
0x23: {  	[sflag:s17] =	ssyncset.done $0x0  }
0x24: {  	s19 =	sadd.s32 $0x0, s8;
	[sflag:s17] =	ssyncadd.s32 $0xFFFFD800  }
0x25: {  	[hbm4b:s19+s3] =	stream.linear.scatter [tilespmem:s14], [sflag:$0x2], $0x2800, $0x38;
	[tilespmem:$0x7900] =	vst v63  }
0x26: {  	_ =	swait.ge [sflag:s11], $0x2800  }
0x27: {  	[sflag:s11] =	ssyncset.done $0x0  }
0x28: {  	s30 =	sadd.s32 $0x0, s9;
	[sflag:s11] =	ssyncadd.s32 $0xFFFFD800  }
0x29: {  	[hbm4b:s30+s3] =	stream.linear.scatter [tilespmem:s15], [sflag:$0x2], $0x2800, $0x38;
	[tilespmem:$0x7900] =	vst v63  }
0x2a: {  	_ =	swait.ge [sflag:s11], $0x2800  }
0x2b: {  	[sflag:s11] =	ssyncset.done $0x0  }
0x2c: {  	s31 =	sadd.s32 $0x0, s10;
	[sflag:s11] =	ssyncadd.s32 $0xFFFFD800  }
0x2d: {  	[hbm4b:s31+s3] =	stream.linear.scatter [tilespmem:s16], [sflag:$0x2], $0x2800, $0x38;
	[tilespmem:$0x7900] =	vst v63  }
0x2e: {  	s20 =	smov.u32 s6;
	_ =	swait.ge [sflag:s11], $0x2800  }
0x2f: {  	s21 =	smov.u32 s7;
	s19 =	simm.s32 $0x500;
	[sflag:s11] =	ssyncset.done $0x0  }
.LBB2_2:
0x30: {  	[sflag:s11] =	ssyncadd.s32 $0xFFFFD800  }
0x31: {  	s20 =	sadd.s32 $0x10, s20;
	s21 =	sadd.s32 $0x10, s21;
	s22 =	smov.u32 s19  }
0x32: {  	[tilespmem:s3], [sflag:$0x2] =	stream.linear.gather [hbm4b:s20+s3], $0x80, $0x38;
	[tilespmem:$0x7900] =	vst v63  }
0x33: {  	p0 =	sne.s32 s19, $0x26C00;
	s19 =	sadd.s32 $0x500, s19;
	_ =	swait.ge [sflag:s11], $0x80  }
0x34: {  	[sflag:s11] =	ssyncset.done $0x0  }
0x35: {  	[sflag:s11] =	ssyncadd.s32 $0xFFFFFF80  }
0x36: {  	[tilespmem:s12], [sflag:$0x2] =	stream.linear.gather [hbm4b:s21+s3], $0x80, $0x38;
	[tilespmem:$0x7900] =	vst v63  }
0x37: {  	_ =	swait.ge [sflag:s11], $0x80  }
0x38: {  	[sflag:s11] =	ssyncset.done $0x0  }
0x39: {  	[sflag:s11] =	ssyncadd.s32 $0xFFFFFF80  }
0x3a: {  	[tilespmem:s14], [sflag:$0x1] =	stream.indirect.gather [hbm4b:s1+s13], $0x80, s3, s13, $0xb8;
	[tilespmem:$0x7900] =	vst v63  }
0x3b: {  	_ = 	snop  }
0x3c: {  	[tilespmem:s15], [sflag:$0x1] =	stream.indirect.gather [hbm4b:s1+s13], $0x80, s12, s13, $0xb8;
	[tilespmem:$0x7900] =	vst v63  }
0x3d: {  	_ = 	snop  }
0x3e: {  	[tilespmem:s16], [sflag:$0x1] =	stream.indirect.gather [hbm4b:s2+s13], $0x80, s12, s13, $0xb8;
	[tilespmem:$0x7900] =	vst v63  }
0x3f: {  	_ =	swait.ge [sflag:s17], $0x2800  }
0x40: {  	[sflag:s17] =	ssyncset.done $0x0  }
0x41: {  	[sflag:s17] =	ssyncadd.s32 $0xFFFFD800  }
0x42: {  	_ =	swait.ge [sflag:s17], $0x2800  }
0x43: {  	[sflag:s17] =	ssyncset.done $0x0  }
0x44: {  	[sflag:s17] =	ssyncadd.s32 $0xFFFFD800  }
0x45: {  	_ =	swait.ge [sflag:s17], $0x2800  }
0x46: {  	[sflag:s17] =	ssyncset.done $0x0  }
0x47: {  	s23 =	sadd.s32 s22, s8;
	[sflag:s17] =	ssyncadd.s32 $0xFFFFD800  }
0x48: {  	[hbm4b:s23+s3] =	stream.linear.scatter [tilespmem:s14], [sflag:$0x2], $0x2800, $0x38;
	[tilespmem:$0x7900] =	vst v63  }
0x49: {  	_ =	swait.ge [sflag:s11], $0x2800  }
0x4a: {  	[sflag:s11] =	ssyncset.done $0x0  }
0x4b: {  	s23 =	sadd.s32 s22, s9;
	[sflag:s11] =	ssyncadd.s32 $0xFFFFD800  }
0x4c: {  	[hbm4b:s23+s3] =	stream.linear.scatter [tilespmem:s15], [sflag:$0x2], $0x2800, $0x38;
	[tilespmem:$0x7900] =	vst v63  }
0x4d: {  	_ =	swait.ge [sflag:s11], $0x2800  }
.Ltmp0:
0x4e: {  	[sflag:s11] =	ssyncset.done $0x0;
	(pc) =	sbr.rel @p0 .LBB2_2-.Ltmp0, $4  }
0x4f: {  	s22 =	sadd.s32 s22, s10;
	[sflag:s11] =	ssyncadd.s32 $0xFFFFD800  }
0x50: {  	[hbm4b:s22+s3] =	stream.linear.scatter [tilespmem:s16], [sflag:$0x2], $0x2800, $0x38;
	[tilespmem:$0x7900] =	vst v63  }
0x51: {  	_ =	swait.ge [sflag:s11], $0x2800  }
0x52: {  	[sflag:s11] =	ssyncset.done $0x0  }
0x53: {  	s18 =	sadd.s32 $0x1, s18  }
0x54: {  	p0 =	sne.s32 s18, s5  }
.Ltmp1:
0x55: {  	_ = 	snop;
	(pc) =	sbr.rel @p0 .LBB2_1-.Ltmp1, $2  }
0x56: {  	_ =	sdelay $0x2  }
0x57: {  	[sflag:s11] =	ssyncadd.s32 $0xFFFFD800  }
0x58: {  	_ =	sfence.sel $0x180000  }
0x59: {  	[bflag:$0x0] =	sbarrier.arrive $0xFFFF  }
0x5a: {  	p0 =	sne.s32 s4, $0x0;
	_ =	strace $0x90000047  }
0x5b: {  	s0 =	sadd.s32 @!p0 $0x100000, s0;
	[bflag:$0x2] =	sbarrier.arrive $0xFFFF  }
0x5c: {  	[sflag:s0] =	ssyncadd.tile.s32 @!p0 $0x1;
	_ =	shalt  }
.Lfunc_end2:
_tile_overlayer_lowered:
.L_overlay_start_2:
0x5d: {  	(tag) =	ssettag $0x2  }
0x5e: {  	s0 =	rddreg [dreg:$0x0];
	s2 =	stileid.u32  }
0x5f: {  	s1 =	rddreg [dreg:$0x1];
	p0 =	sne.s32 s2, $0x0  }
0x60: {  	s3 =	rddreg [dreg:$0x2];
	[bflag:$0x3] =	sbarrier.arrive $0xFFFF;
	s2 =	simm.s32 @!p0 $0x1C02  }
0x61: {  	[timem:s3], [sflag:s2] =	dma.local @!p0 [hbm:s0], s1  }
0x62: {  	s0 =	simm.s32 @!p0 $0x2  }
0x63: {  	_ =	swait.ge @!p0 [sflag:s0], s1  }
0x64: {  	s1 =	ssub.s32 @!p0 $0x0, s1;
	[sflag:s0] =	ssyncset.done @!p0 $0x0  }
0x65: {  	[sflag:s0] =	ssyncadd.s32 @!p0 s1  }
0x66: {  	[bflag:$0x3] =	sbarrier.arrive $0xFFFF  }
0x67: {  	_ =	shalt  }

</sc_bundles>
